<compile_context>
chip_gen: v7x
topology: tpu7x:2x2x1
jax: 0.10.2.dev20260603
libtpu: 0.0.44.dev20260713+nightly
codegen_flags: <defaults>
</compile_context>

<pallas_src>
import functools

import jax
import jax.numpy as jnp
from jax import lax
from jax.experimental import pallas as pl
from jax.experimental.pallas import tpu as pltpu
from jax.experimental.pallas import tpu_sc as plsc

NUM_CORES = 2
NUM_SUBCORES = 16
NUM_WORKERS = NUM_CORES * NUM_SUBCORES

NBUF = 8
KAHEAD = 6


def _emb_kernel(B0, S, V, D):
    p_per_w = B0 // NUM_WORKERS
    mesh = plsc.VectorSubcoreMesh(core_axis_name="c", subcore_axis_name="s")

    @functools.partial(
        pl.kernel,
        out_type=jax.ShapeDtypeStruct((B0, S, D), jnp.float32),
        mesh=mesh,
        scratch_types=[
            pltpu.VMEM((p_per_w, S), jnp.int32),
            pltpu.VMEM((NBUF, S, D), jnp.float32),
        ] + [pltpu.SemaphoreType.DMA] * (2 * NBUF),
        compiler_params=pltpu.CompilerParams(use_tc_tiling_on_sc=False),
    )
    def emb(tok_hbm, table_hbm, out_hbm, idx_v, rows_v, *sems):
        gsems, osems = sems[:NBUF], sems[NBUF:]
        wid = lax.axis_index("s") * NUM_CORES + lax.axis_index("c")
        base = wid * p_per_w
        pltpu.sync_copy(tok_hbm.at[pl.ds(base, p_per_w)], idx_v)

        def fire(g, b):
            pltpu.async_copy(table_hbm.at[idx_v.at[g]], rows_v.at[b], gsems[b])

        def drain_gather(b):
            pltpu.make_async_copy(
                table_hbm.at[idx_v.at[0]], rows_v.at[b], gsems[b]).wait()

        def start_out(g, b):
            pltpu.async_copy(rows_v.at[b], out_hbm.at[base + g], osems[b])

        def wait_out(b):
            pltpu.make_async_copy(
                rows_v.at[b], out_hbm.at[base], osems[b]).wait()

        def visit(g, b, bk, do_fire, do_owait):
            if do_fire:
                if do_owait:
                    wait_out(bk)
                fire(g + KAHEAD, bk)
            drain_gather(b)
            start_out(g, b)

        for g in range(KAHEAD):
            fire(g, g % NBUF)
        for g in range(NBUF - KAHEAD):
            visit(g, g % NBUF, (g + KAHEAD) % NBUF, True, False)
        lo, hi = NBUF - KAHEAD, p_per_w - KAHEAD
        assert (hi - lo) % NBUF == 0

        @pl.loop(lo, hi, step=NBUF)
        def _steady(t):
            for i in range(NBUF):
                b = (lo + i) % NBUF
                visit(t + i, b, (b + KAHEAD) % NBUF, True, True)

        for g in range(p_per_w - KAHEAD, p_per_w):
            visit(g, g % NBUF, 0, False, False)
        for b in range(NBUF):
            wait_out(b)

    return emb


def kernel(token_ids, ME):
    B0, S = token_ids.shape
    V, D = ME.shape
    return _emb_kernel(B0, S, V, D)(token_ids, ME)

# --- scband reference (transcript-rebuilt; emitter-appended) ---
"""Pipeline reference for scband-embedding-18957985645074 (READ-ONLY COPY).

The authoritative reference and input builder live on the scoring server;
editing this copy changes nothing except your own understanding.
"""

import jax, jax.numpy as jnp
import numpy as np

NUM_VOCAB = 1000000
D_MODEL = 64

def setup_inputs(seed: int = 0) -> dict:
    key = jax.random.key(seed)
    k1, k2 = jax.random.split(key)
    token_ids = jax.random.randint(k1, (16384, 50), 0, NUM_VOCAB, dtype=jnp.int64 if jax.config.jax_enable_x64 else jnp.int32)
    # truncated normal init, mean=0, std=1, a=-3, b=3
    ME = jax.random.truncated_normal(k2, -3.0, 3.0, (NUM_VOCAB, D_MODEL), dtype=jnp.float32)
    return {"token_ids": token_ids, "ME": ME}

def reference(token_ids, ME):
    return jnp.take(ME, token_ids, axis=0)

if __name__ == "__main__":
    import jax
    _d = setup_inputs()
    print(jax.jit(kernel)(*tuple(_d.values())))

</pallas_src>

<mosaic_0001>
#map = affine_map<(d0, d1) -> (0, 0)>
#map1 = affine_map<(d0, d1) -> (0, 0, 0)>
module attributes {stable_mosaic.version = 14 : i64} {
  func.func @emb(%arg0: i32, %arg1: i32, %arg2: memref<16384x50xi32, #tpu.memory_space<hbm>>, %arg3: memref<1000000x64xf32, #tpu.memory_space<hbm>>, %arg4: memref<16384x50x64xf32, #tpu.memory_space<hbm>>, %arg5: memref<512x50xi32, #tpu.memory_space<vmem>>, %arg6: memref<8x50x64xf32, #tpu.memory_space<vmem>>, %arg7: memref<!tpu.dma_semaphore, #tpu.memory_space<semaphore_mem>>, %arg8: memref<!tpu.dma_semaphore, #tpu.memory_space<semaphore_mem>>, %arg9: memref<!tpu.dma_semaphore, #tpu.memory_space<semaphore_mem>>, %arg10: memref<!tpu.dma_semaphore, #tpu.memory_space<semaphore_mem>>, %arg11: memref<!tpu.dma_semaphore, #tpu.memory_space<semaphore_mem>>, %arg12: memref<!tpu.dma_semaphore, #tpu.memory_space<semaphore_mem>>, %arg13: memref<!tpu.dma_semaphore, #tpu.memory_space<semaphore_mem>>, %arg14: memref<!tpu.dma_semaphore, #tpu.memory_space<semaphore_mem>>, %arg15: memref<!tpu.dma_semaphore, #tpu.memory_space<semaphore_mem>>, %arg16: memref<!tpu.dma_semaphore, #tpu.memory_space<semaphore_mem>>, %arg17: memref<!tpu.dma_semaphore, #tpu.memory_space<semaphore_mem>>, %arg18: memref<!tpu.dma_semaphore, #tpu.memory_space<semaphore_mem>>, %arg19: memref<!tpu.dma_semaphore, #tpu.memory_space<semaphore_mem>>, %arg20: memref<!tpu.dma_semaphore, #tpu.memory_space<semaphore_mem>>, %arg21: memref<!tpu.dma_semaphore, #tpu.memory_space<semaphore_mem>>, %arg22: memref<!tpu.dma_semaphore, #tpu.memory_space<semaphore_mem>>) attributes {dimension_semantics = [#tpu.dimension_semantics<core_parallel>, #tpu.dimension_semantics<subcore_parallel>], iteration_bounds = array<i64: 2, 16>, scalar_prefetch = 0 : i64, scratch_operands = 18 : i64, tpu.core_type = #tpu.core_type<sc_vector_subcore>, window_params = [{transform_indices = #map}, {transform_indices = #map}, {transform_indices = #map1}]} {
    %mul3A = arith.constant 2 : i32
    %mul3A_0 = arith.muli %arg1, %mul3A : i32
    %add3A = arith.addi %mul3A_0, %arg0 : i32
    %mul3A_1 = arith.constant 512 : i32
    %mul3A_2 = arith.muli %add3A, %mul3A_1 : i32
    "tpu.region"() ({
      %run_scoped3A = tpu.sem_alloc : memref<!tpu.dma_semaphore, #tpu.memory_space<semaphore_mem>>
      %dma_start3A_485 = arith.constant 0 : i32
      %dma_start3A_486 = tpu.memref_slice %arg2[%mul3A_2, %dma_start3A_485] : memref<16384x50xi32, #tpu.memory_space<hbm>> -> memref<512x50xi32, #tpu.memory_space<hbm>>
      %dma_start3A_487 = arith.constant 0 : i32
      %dma_start3A_488 = tpu.memref_slice %arg2[%mul3A_2, %dma_start3A_487] : memref<16384x50xi32, #tpu.memory_space<hbm>> -> memref<512x50xi32, #tpu.memory_space<hbm>>
      tpu.enqueue_dma source(%dma_start3A_488 : memref<512x50xi32, #tpu.memory_space<hbm>>) target(%arg5 : memref<512x50xi32, #tpu.memory_space<vmem>>) target_semaphore(%run_scoped3A : memref<!tpu.dma_semaphore, #tpu.memory_space<semaphore_mem>>)
      %dma_wait3A_489 = arith.constant 0 : i32
      %dma_wait3A_490 = tpu.memref_slice %arg2[%mul3A_2, %dma_wait3A_489] : memref<16384x50xi32, #tpu.memory_space<hbm>> -> memref<512x50xi32, #tpu.memory_space<hbm>>
      %dma_wait3A_491 = arith.constant 0 : i32
      %dma_wait3A_492 = tpu.memref_slice %arg2[%mul3A_2, %dma_wait3A_491] : memref<16384x50xi32, #tpu.memory_space<hbm>> -> memref<512x50xi32, #tpu.memory_space<hbm>>
      tpu.wait_dma2 semaphore(%run_scoped3A : memref<!tpu.dma_semaphore, #tpu.memory_space<semaphore_mem>>) src(%dma_wait3A_492 : memref<512x50xi32, #tpu.memory_space<hbm>>) dst(%arg5 : memref<512x50xi32, #tpu.memory_space<vmem>>)
      tpu.yield
    }) : () -> ()
    %dma_start3A = arith.constant 0 : i32
    %dma_start3A_3 = arith.constant 0 : i32
    %dma_start3A_4 = arith.constant 0 : i32
    %dma_start3A_5 = arith.constant 0 : i32
    %dma_start3A_6 = tpu.memref_slice %arg6[%dma_start3A_3, %dma_start3A_4, %dma_start3A_5] : memref<8x50x64xf32, #tpu.memory_space<vmem>> -> memref<1x50x64xf32, #tpu.memory_space<vmem>>
    %dma_start3A_7 = tpu.memref_squeeze %dma_start3A_6 : memref<1x50x64xf32, #tpu.memory_space<vmem>> -> memref<50x64xf32, #tpu.memory_space<vmem>>
    %dma_start3A_8 = arith.constant 0 : i32
    %dma_start3A_9 = tpu.memref_slice %arg5[%dma_start3A, %dma_start3A_8] : memref<512x50xi32, #tpu.memory_space<vmem>> -> memref<1x50xi32, #tpu.memory_space<vmem>>
    %dma_start3A_10 = tpu.memref_squeeze %dma_start3A_9 : memref<1x50xi32, #tpu.memory_space<vmem>> -> memref<50xi32, #tpu.memory_space<vmem>>
    %dma_start3A_11 = arith.constant 0 : i32
    %dma_start3A_12 = arith.constant 0 : i32
    %dma_start3A_13 = tpu.memref_slice %arg3[%dma_start3A_11, %dma_start3A_12] : memref<1000000x64xf32, #tpu.memory_space<hbm>> -> memref<1000000x64xf32, #tpu.memory_space<hbm>>
    tpu.enqueue_indirect_dma source(%dma_start3A_13 : memref<1000000x64xf32, #tpu.memory_space<hbm>>) target(%dma_start3A_7 : memref<50x64xf32, #tpu.memory_space<vmem>>) offsets(%dma_start3A_10 : memref<50xi32, #tpu.memory_space<vmem>>) semaphore(%arg7 : memref<!tpu.dma_semaphore, #tpu.memory_space<semaphore_mem>>)
    %dma_start3A_14 = arith.constant 1 : i32
    %dma_start3A_15 = arith.constant 1 : i32
    %dma_start3A_16 = arith.constant 0 : i32
    %dma_start3A_17 = arith.constant 0 : i32
    %dma_start3A_18 = tpu.memref_slice %arg6[%dma_start3A_15, %dma_start3A_16, %dma_start3A_17] : memref<8x50x64xf32, #tpu.memory_space<vmem>> -> memref<1x50x64xf32, #tpu.memory_space<vmem>>
    %dma_start3A_19 = tpu.memref_squeeze %dma_start3A_18 : memref<1x50x64xf32, #tpu.memory_space<vmem>> -> memref<50x64xf32, #tpu.memory_space<vmem>>
    %dma_start3A_20 = arith.constant 0 : i32
    %dma_start3A_21 = tpu.memref_slice %arg5[%dma_start3A_14, %dma_start3A_20] : memref<512x50xi32, #tpu.memory_space<vmem>> -> memref<1x50xi32, #tpu.memory_space<vmem>>
    %dma_start3A_22 = tpu.memref_squeeze %dma_start3A_21 : memref<1x50xi32, #tpu.memory_space<vmem>> -> memref<50xi32, #tpu.memory_space<vmem>>
    %dma_start3A_23 = arith.constant 0 : i32
    %dma_start3A_24 = arith.constant 0 : i32
    %dma_start3A_25 = tpu.memref_slice %arg3[%dma_start3A_23, %dma_start3A_24] : memref<1000000x64xf32, #tpu.memory_space<hbm>> -> memref<1000000x64xf32, #tpu.memory_space<hbm>>
    tpu.enqueue_indirect_dma source(%dma_start3A_25 : memref<1000000x64xf32, #tpu.memory_space<hbm>>) target(%dma_start3A_19 : memref<50x64xf32, #tpu.memory_space<vmem>>) offsets(%dma_start3A_22 : memref<50xi32, #tpu.memory_space<vmem>>) semaphore(%arg8 : memref<!tpu.dma_semaphore, #tpu.memory_space<semaphore_mem>>)
    %dma_start3A_26 = arith.constant 2 : i32
    %dma_start3A_27 = arith.constant 2 : i32
    %dma_start3A_28 = arith.constant 0 : i32
    %dma_start3A_29 = arith.constant 0 : i32
    %dma_start3A_30 = tpu.memref_slice %arg6[%dma_start3A_27, %dma_start3A_28, %dma_start3A_29] : memref<8x50x64xf32, #tpu.memory_space<vmem>> -> memref<1x50x64xf32, #tpu.memory_space<vmem>>
    %dma_start3A_31 = tpu.memref_squeeze %dma_start3A_30 : memref<1x50x64xf32, #tpu.memory_space<vmem>> -> memref<50x64xf32, #tpu.memory_space<vmem>>
    %dma_start3A_32 = arith.constant 0 : i32
    %dma_start3A_33 = tpu.memref_slice %arg5[%dma_start3A_26, %dma_start3A_32] : memref<512x50xi32, #tpu.memory_space<vmem>> -> memref<1x50xi32, #tpu.memory_space<vmem>>
    %dma_start3A_34 = tpu.memref_squeeze %dma_start3A_33 : memref<1x50xi32, #tpu.memory_space<vmem>> -> memref<50xi32, #tpu.memory_space<vmem>>
    %dma_start3A_35 = arith.constant 0 : i32
    %dma_start3A_36 = arith.constant 0 : i32
    %dma_start3A_37 = tpu.memref_slice %arg3[%dma_start3A_35, %dma_start3A_36] : memref<1000000x64xf32, #tpu.memory_space<hbm>> -> memref<1000000x64xf32, #tpu.memory_space<hbm>>
    tpu.enqueue_indirect_dma source(%dma_start3A_37 : memref<1000000x64xf32, #tpu.memory_space<hbm>>) target(%dma_start3A_31 : memref<50x64xf32, #tpu.memory_space<vmem>>) offsets(%dma_start3A_34 : memref<50xi32, #tpu.memory_space<vmem>>) semaphore(%arg9 : memref<!tpu.dma_semaphore, #tpu.memory_space<semaphore_mem>>)
    %dma_start3A_38 = arith.constant 3 : i32
    %dma_start3A_39 = arith.constant 3 : i32
    %dma_start3A_40 = arith.constant 0 : i32
    %dma_start3A_41 = arith.constant 0 : i32
    %dma_start3A_42 = tpu.memref_slice %arg6[%dma_start3A_39, %dma_start3A_40, %dma_start3A_41] : memref<8x50x64xf32, #tpu.memory_space<vmem>> -> memref<1x50x64xf32, #tpu.memory_space<vmem>>
    %dma_start3A_43 = tpu.memref_squeeze %dma_start3A_42 : memref<1x50x64xf32, #tpu.memory_space<vmem>> -> memref<50x64xf32, #tpu.memory_space<vmem>>
    %dma_start3A_44 = arith.constant 0 : i32
    %dma_start3A_45 = tpu.memref_slice %arg5[%dma_start3A_38, %dma_start3A_44] : memref<512x50xi32, #tpu.memory_space<vmem>> -> memref<1x50xi32, #tpu.memory_space<vmem>>
    %dma_start3A_46 = tpu.memref_squeeze %dma_start3A_45 : memref<1x50xi32, #tpu.memory_space<vmem>> -> memref<50xi32, #tpu.memory_space<vmem>>
    %dma_start3A_47 = arith.constant 0 : i32
    %dma_start3A_48 = arith.constant 0 : i32
    %dma_start3A_49 = tpu.memref_slice %arg3[%dma_start3A_47, %dma_start3A_48] : memref<1000000x64xf32, #tpu.memory_space<hbm>> -> memref<1000000x64xf32, #tpu.memory_space<hbm>>
    tpu.enqueue_indirect_dma source(%dma_start3A_49 : memref<1000000x64xf32, #tpu.memory_space<hbm>>) target(%dma_start3A_43 : memref<50x64xf32, #tpu.memory_space<vmem>>) offsets(%dma_start3A_46 : memref<50xi32, #tpu.memory_space<vmem>>) semaphore(%arg10 : memref<!tpu.dma_semaphore, #tpu.memory_space<semaphore_mem>>)
    %dma_start3A_50 = arith.constant 4 : i32
    %dma_start3A_51 = arith.constant 4 : i32
    %dma_start3A_52 = arith.constant 0 : i32
    %dma_start3A_53 = arith.constant 0 : i32
    %dma_start3A_54 = tpu.memref_slice %arg6[%dma_start3A_51, %dma_start3A_52, %dma_start3A_53] : memref<8x50x64xf32, #tpu.memory_space<vmem>> -> memref<1x50x64xf32, #tpu.memory_space<vmem>>
    %dma_start3A_55 = tpu.memref_squeeze %dma_start3A_54 : memref<1x50x64xf32, #tpu.memory_space<vmem>> -> memref<50x64xf32, #tpu.memory_space<vmem>>
    %dma_start3A_56 = arith.constant 0 : i32
    %dma_start3A_57 = tpu.memref_slice %arg5[%dma_start3A_50, %dma_start3A_56] : memref<512x50xi32, #tpu.memory_space<vmem>> -> memref<1x50xi32, #tpu.memory_space<vmem>>
    %dma_start3A_58 = tpu.memref_squeeze %dma_start3A_57 : memref<1x50xi32, #tpu.memory_space<vmem>> -> memref<50xi32, #tpu.memory_space<vmem>>
    %dma_start3A_59 = arith.constant 0 : i32
    %dma_start3A_60 = arith.constant 0 : i32
    %dma_start3A_61 = tpu.memref_slice %arg3[%dma_start3A_59, %dma_start3A_60] : memref<1000000x64xf32, #tpu.memory_space<hbm>> -> memref<1000000x64xf32, #tpu.memory_space<hbm>>
    tpu.enqueue_indirect_dma source(%dma_start3A_61 : memref<1000000x64xf32, #tpu.memory_space<hbm>>) target(%dma_start3A_55 : memref<50x64xf32, #tpu.memory_space<vmem>>) offsets(%dma_start3A_58 : memref<50xi32, #tpu.memory_space<vmem>>) semaphore(%arg11 : memref<!tpu.dma_semaphore, #tpu.memory_space<semaphore_mem>>)
    %dma_start3A_62 = arith.constant 5 : i32
    %dma_start3A_63 = arith.constant 5 : i32
    %dma_start3A_64 = arith.constant 0 : i32
    %dma_start3A_65 = arith.constant 0 : i32
    %dma_start3A_66 = tpu.memref_slice %arg6[%dma_start3A_63, %dma_start3A_64, %dma_start3A_65] : memref<8x50x64xf32, #tpu.memory_space<vmem>> -> memref<1x50x64xf32, #tpu.memory_space<vmem>>
    %dma_start3A_67 = tpu.memref_squeeze %dma_start3A_66 : memref<1x50x64xf32, #tpu.memory_space<vmem>> -> memref<50x64xf32, #tpu.memory_space<vmem>>
    %dma_start3A_68 = arith.constant 0 : i32
    %dma_start3A_69 = tpu.memref_slice %arg5[%dma_start3A_62, %dma_start3A_68] : memref<512x50xi32, #tpu.memory_space<vmem>> -> memref<1x50xi32, #tpu.memory_space<vmem>>
    %dma_start3A_70 = tpu.memref_squeeze %dma_start3A_69 : memref<1x50xi32, #tpu.memory_space<vmem>> -> memref<50xi32, #tpu.memory_space<vmem>>
    %dma_start3A_71 = arith.constant 0 : i32
    %dma_start3A_72 = arith.constant 0 : i32
    %dma_start3A_73 = tpu.memref_slice %arg3[%dma_start3A_71, %dma_start3A_72] : memref<1000000x64xf32, #tpu.memory_space<hbm>> -> memref<1000000x64xf32, #tpu.memory_space<hbm>>
    tpu.enqueue_indirect_dma source(%dma_start3A_73 : memref<1000000x64xf32, #tpu.memory_space<hbm>>) target(%dma_start3A_67 : memref<50x64xf32, #tpu.memory_space<vmem>>) offsets(%dma_start3A_70 : memref<50xi32, #tpu.memory_space<vmem>>) semaphore(%arg12 : memref<!tpu.dma_semaphore, #tpu.memory_space<semaphore_mem>>)
    %dma_start3A_74 = arith.constant 6 : i32
    %dma_start3A_75 = arith.constant 6 : i32
    %dma_start3A_76 = arith.constant 0 : i32
    %dma_start3A_77 = arith.constant 0 : i32
    %dma_start3A_78 = tpu.memref_slice %arg6[%dma_start3A_75, %dma_start3A_76, %dma_start3A_77] : memref<8x50x64xf32, #tpu.memory_space<vmem>> -> memref<1x50x64xf32, #tpu.memory_space<vmem>>
    %dma_start3A_79 = tpu.memref_squeeze %dma_start3A_78 : memref<1x50x64xf32, #tpu.memory_space<vmem>> -> memref<50x64xf32, #tpu.memory_space<vmem>>
    %dma_start3A_80 = arith.constant 0 : i32
    %dma_start3A_81 = tpu.memref_slice %arg5[%dma_start3A_74, %dma_start3A_80] : memref<512x50xi32, #tpu.memory_space<vmem>> -> memref<1x50xi32, #tpu.memory_space<vmem>>
    %dma_start3A_82 = tpu.memref_squeeze %dma_start3A_81 : memref<1x50xi32, #tpu.memory_space<vmem>> -> memref<50xi32, #tpu.memory_space<vmem>>
    %dma_start3A_83 = arith.constant 0 : i32
    %dma_start3A_84 = arith.constant 0 : i32
    %dma_start3A_85 = tpu.memref_slice %arg3[%dma_start3A_83, %dma_start3A_84] : memref<1000000x64xf32, #tpu.memory_space<hbm>> -> memref<1000000x64xf32, #tpu.memory_space<hbm>>
    tpu.enqueue_indirect_dma source(%dma_start3A_85 : memref<1000000x64xf32, #tpu.memory_space<hbm>>) target(%dma_start3A_79 : memref<50x64xf32, #tpu.memory_space<vmem>>) offsets(%dma_start3A_82 : memref<50xi32, #tpu.memory_space<vmem>>) semaphore(%arg13 : memref<!tpu.dma_semaphore, #tpu.memory_space<semaphore_mem>>)
    %dma_wait3A = arith.constant 0 : i32
    %dma_wait3A_86 = arith.constant 0 : i32
    %dma_wait3A_87 = arith.constant 0 : i32
    %dma_wait3A_88 = arith.constant 0 : i32
    %dma_wait3A_89 = tpu.memref_slice %arg6[%dma_wait3A_86, %dma_wait3A_87, %dma_wait3A_88] : memref<8x50x64xf32, #tpu.memory_space<vmem>> -> memref<1x50x64xf32, #tpu.memory_space<vmem>>
    %dma_wait3A_90 = tpu.memref_squeeze %dma_wait3A_89 : memref<1x50x64xf32, #tpu.memory_space<vmem>> -> memref<50x64xf32, #tpu.memory_space<vmem>>
    %dma_wait3A_91 = arith.constant 0 : i32
    %dma_wait3A_92 = tpu.memref_slice %arg5[%dma_wait3A, %dma_wait3A_91] : memref<512x50xi32, #tpu.memory_space<vmem>> -> memref<1x50xi32, #tpu.memory_space<vmem>>
    %dma_wait3A_93 = tpu.memref_squeeze %dma_wait3A_92 : memref<1x50xi32, #tpu.memory_space<vmem>> -> memref<50xi32, #tpu.memory_space<vmem>>
    %dma_wait3A_94 = arith.constant 0 : i32
    %dma_wait3A_95 = arith.constant 0 : i32
    %dma_wait3A_96 = tpu.memref_slice %arg3[%dma_wait3A_94, %dma_wait3A_95] : memref<1000000x64xf32, #tpu.memory_space<hbm>> -> memref<1000000x64xf32, #tpu.memory_space<hbm>>
    tpu.wait_indirect_dma semaphore(%arg7 : memref<!tpu.dma_semaphore, #tpu.memory_space<semaphore_mem>>) src(%dma_wait3A_96 : memref<1000000x64xf32, #tpu.memory_space<hbm>>) dst(%dma_wait3A_90 : memref<50x64xf32, #tpu.memory_space<vmem>>)
    %add3A_97 = arith.constant 0 : i32
    %add3A_98 = arith.addi %mul3A_2, %add3A_97 : i32
    %dma_start3A_99 = arith.constant 0 : i32
    %dma_start3A_100 = arith.constant 0 : i32
    %dma_start3A_101 = arith.constant 0 : i32
    %dma_start3A_102 = tpu.memref_slice %arg6[%dma_start3A_99, %dma_start3A_100, %dma_start3A_101] : memref<8x50x64xf32, #tpu.memory_space<vmem>> -> memref<1x50x64xf32, #tpu.memory_space<vmem>>
    %dma_start3A_103 = tpu.memref_squeeze %dma_start3A_102 : memref<1x50x64xf32, #tpu.memory_space<vmem>> -> memref<50x64xf32, #tpu.memory_space<vmem>>
    %dma_start3A_104 = arith.constant 0 : i32
    %dma_start3A_105 = arith.constant 0 : i32
    %dma_start3A_106 = tpu.memref_slice %arg4[%add3A_98, %dma_start3A_104, %dma_start3A_105] : memref<16384x50x64xf32, #tpu.memory_space<hbm>> -> memref<1x50x64xf32, #tpu.memory_space<hbm>>
    %dma_start3A_107 = tpu.memref_squeeze %dma_start3A_106 : memref<1x50x64xf32, #tpu.memory_space<hbm>> -> memref<50x64xf32, #tpu.memory_space<hbm>>
    %dma_start3A_108 = arith.constant 0 : i32
    %dma_start3A_109 = arith.constant 0 : i32
    %dma_start3A_110 = tpu.memref_slice %arg4[%add3A_98, %dma_start3A_108, %dma_start3A_109] : memref<16384x50x64xf32, #tpu.memory_space<hbm>> -> memref<1x50x64xf32, #tpu.memory_space<hbm>>
    %dma_start3A_111 = tpu.memref_squeeze %dma_start3A_110 : memref<1x50x64xf32, #tpu.memory_space<hbm>> -> memref<50x64xf32, #tpu.memory_space<hbm>>
    %dma_start3A_112 = arith.constant 0 : i32
    %dma_start3A_113 = arith.constant 0 : i32
    %dma_start3A_114 = tpu.memref_slice %arg6[%dma_start3A_99, %dma_start3A_112, %dma_start3A_113] : memref<8x50x64xf32, #tpu.memory_space<vmem>> -> memref<1x50x64xf32, #tpu.memory_space<vmem>>
    %dma_start3A_115 = tpu.memref_squeeze %dma_start3A_114 : memref<1x50x64xf32, #tpu.memory_space<vmem>> -> memref<50x64xf32, #tpu.memory_space<vmem>>
    tpu.enqueue_dma source(%dma_start3A_115 : memref<50x64xf32, #tpu.memory_space<vmem>>) target(%dma_start3A_111 : memref<50x64xf32, #tpu.memory_space<hbm>>) target_semaphore(%arg15 : memref<!tpu.dma_semaphore, #tpu.memory_space<semaphore_mem>>)
    %dma_start3A_116 = arith.constant 7 : i32
    %dma_start3A_117 = arith.constant 7 : i32
    %dma_start3A_118 = arith.constant 0 : i32
    %dma_start3A_119 = arith.constant 0 : i32
    %dma_start3A_120 = tpu.memref_slice %arg6[%dma_start3A_117, %dma_start3A_118, %dma_start3A_119] : memref<8x50x64xf32, #tpu.memory_space<vmem>> -> memref<1x50x64xf32, #tpu.memory_space<vmem>>
    %dma_start3A_121 = tpu.memref_squeeze %dma_start3A_120 : memref<1x50x64xf32, #tpu.memory_space<vmem>> -> memref<50x64xf32, #tpu.memory_space<vmem>>
    %dma_start3A_122 = arith.constant 0 : i32
    %dma_start3A_123 = tpu.memref_slice %arg5[%dma_start3A_116, %dma_start3A_122] : memref<512x50xi32, #tpu.memory_space<vmem>> -> memref<1x50xi32, #tpu.memory_space<vmem>>
    %dma_start3A_124 = tpu.memref_squeeze %dma_start3A_123 : memref<1x50xi32, #tpu.memory_space<vmem>> -> memref<50xi32, #tpu.memory_space<vmem>>
    %dma_start3A_125 = arith.constant 0 : i32
    %dma_start3A_126 = arith.constant 0 : i32
    %dma_start3A_127 = tpu.memref_slice %arg3[%dma_start3A_125, %dma_start3A_126] : memref<1000000x64xf32, #tpu.memory_space<hbm>> -> memref<1000000x64xf32, #tpu.memory_space<hbm>>
    tpu.enqueue_indirect_dma source(%dma_start3A_127 : memref<1000000x64xf32, #tpu.memory_space<hbm>>) target(%dma_start3A_121 : memref<50x64xf32, #tpu.memory_space<vmem>>) offsets(%dma_start3A_124 : memref<50xi32, #tpu.memory_space<vmem>>) semaphore(%arg14 : memref<!tpu.dma_semaphore, #tpu.memory_space<semaphore_mem>>)
    %dma_wait3A_128 = arith.constant 0 : i32
    %dma_wait3A_129 = arith.constant 1 : i32
    %dma_wait3A_130 = arith.constant 0 : i32
    %dma_wait3A_131 = arith.constant 0 : i32
    %dma_wait3A_132 = tpu.memref_slice %arg6[%dma_wait3A_129, %dma_wait3A_130, %dma_wait3A_131] : memref<8x50x64xf32, #tpu.memory_space<vmem>> -> memref<1x50x64xf32, #tpu.memory_space<vmem>>
    %dma_wait3A_133 = tpu.memref_squeeze %dma_wait3A_132 : memref<1x50x64xf32, #tpu.memory_space<vmem>> -> memref<50x64xf32, #tpu.memory_space<vmem>>
    %dma_wait3A_134 = arith.constant 0 : i32
    %dma_wait3A_135 = tpu.memref_slice %arg5[%dma_wait3A_128, %dma_wait3A_134] : memref<512x50xi32, #tpu.memory_space<vmem>> -> memref<1x50xi32, #tpu.memory_space<vmem>>
    %dma_wait3A_136 = tpu.memref_squeeze %dma_wait3A_135 : memref<1x50xi32, #tpu.memory_space<vmem>> -> memref<50xi32, #tpu.memory_space<vmem>>
    %dma_wait3A_137 = arith.constant 0 : i32
    %dma_wait3A_138 = arith.constant 0 : i32
    %dma_wait3A_139 = tpu.memref_slice %arg3[%dma_wait3A_137, %dma_wait3A_138] : memref<1000000x64xf32, #tpu.memory_space<hbm>> -> memref<1000000x64xf32, #tpu.memory_space<hbm>>
    tpu.wait_indirect_dma semaphore(%arg8 : memref<!tpu.dma_semaphore, #tpu.memory_space<semaphore_mem>>) src(%dma_wait3A_139 : memref<1000000x64xf32, #tpu.memory_space<hbm>>) dst(%dma_wait3A_133 : memref<50x64xf32, #tpu.memory_space<vmem>>)
    %add3A_140 = arith.constant 1 : i32
    %add3A_141 = arith.addi %mul3A_2, %add3A_140 : i32
    %dma_start3A_142 = arith.constant 1 : i32
    %dma_start3A_143 = arith.constant 0 : i32
    %dma_start3A_144 = arith.constant 0 : i32
    %dma_start3A_145 = tpu.memref_slice %arg6[%dma_start3A_142, %dma_start3A_143, %dma_start3A_144] : memref<8x50x64xf32, #tpu.memory_space<vmem>> -> memref<1x50x64xf32, #tpu.memory_space<vmem>>
    %dma_start3A_146 = tpu.memref_squeeze %dma_start3A_145 : memref<1x50x64xf32, #tpu.memory_space<vmem>> -> memref<50x64xf32, #tpu.memory_space<vmem>>
    %dma_start3A_147 = arith.constant 0 : i32
    %dma_start3A_148 = arith.constant 0 : i32
    %dma_start3A_149 = tpu.memref_slice %arg4[%add3A_141, %dma_start3A_147, %dma_start3A_148] : memref<16384x50x64xf32, #tpu.memory_space<hbm>> -> memref<1x50x64xf32, #tpu.memory_space<hbm>>
    %dma_start3A_150 = tpu.memref_squeeze %dma_start3A_149 : memref<1x50x64xf32, #tpu.memory_space<hbm>> -> memref<50x64xf32, #tpu.memory_space<hbm>>
    %dma_start3A_151 = arith.constant 0 : i32
    %dma_start3A_152 = arith.constant 0 : i32
    %dma_start3A_153 = tpu.memref_slice %arg4[%add3A_141, %dma_start3A_151, %dma_start3A_152] : memref<16384x50x64xf32, #tpu.memory_space<hbm>> -> memref<1x50x64xf32, #tpu.memory_space<hbm>>
    %dma_start3A_154 = tpu.memref_squeeze %dma_start3A_153 : memref<1x50x64xf32, #tpu.memory_space<hbm>> -> memref<50x64xf32, #tpu.memory_space<hbm>>
    %dma_start3A_155 = arith.constant 0 : i32
    %dma_start3A_156 = arith.constant 0 : i32
    %dma_start3A_157 = tpu.memref_slice %arg6[%dma_start3A_142, %dma_start3A_155, %dma_start3A_156] : memref<8x50x64xf32, #tpu.memory_space<vmem>> -> memref<1x50x64xf32, #tpu.memory_space<vmem>>
    %dma_start3A_158 = tpu.memref_squeeze %dma_start3A_157 : memref<1x50x64xf32, #tpu.memory_space<vmem>> -> memref<50x64xf32, #tpu.memory_space<vmem>>
    tpu.enqueue_dma source(%dma_start3A_158 : memref<50x64xf32, #tpu.memory_space<vmem>>) target(%dma_start3A_154 : memref<50x64xf32, #tpu.memory_space<hbm>>) target_semaphore(%arg16 : memref<!tpu.dma_semaphore, #tpu.memory_space<semaphore_mem>>)
    %scan3A = arith.constant 0 : i32
    %scan3A_159 = arith.constant 63 : i32
    %scan3A_160 = arith.addi %scan3A, %scan3A_159 : i32
    %scan3A_161 = arith.constant 1 : i32
    scf.for %scan3A_485 = %scan3A to %scan3A_160 step %scan3A_161  : i32 {
      %mul3A_486 = arith.constant 8 : i32
      %mul3A_487 = arith.muli %scan3A_485, %mul3A_486 : i32
      %add3A_488 = arith.constant 2 : i32
      %add3A_489 = arith.addi %add3A_488, %mul3A_487 : i32
      %add3A_490 = arith.constant 0 : i32
      %add3A_491 = arith.addi %add3A_489, %add3A_490 : i32
      %dma_wait3A_492 = arith.constant 0 : i32
      %dma_wait3A_493 = arith.constant 0 : i32
      %dma_wait3A_494 = arith.constant 0 : i32
      %dma_wait3A_495 = tpu.memref_slice %arg6[%dma_wait3A_492, %dma_wait3A_493, %dma_wait3A_494] : memref<8x50x64xf32, #tpu.memory_space<vmem>> -> memref<1x50x64xf32, #tpu.memory_space<vmem>>
      %dma_wait3A_496 = tpu.memref_squeeze %dma_wait3A_495 : memref<1x50x64xf32, #tpu.memory_space<vmem>> -> memref<50x64xf32, #tpu.memory_space<vmem>>
      %dma_wait3A_497 = arith.constant 0 : i32
      %dma_wait3A_498 = arith.constant 0 : i32
      %dma_wait3A_499 = tpu.memref_slice %arg4[%mul3A_2, %dma_wait3A_497, %dma_wait3A_498] : memref<16384x50x64xf32, #tpu.memory_space<hbm>> -> memref<1x50x64xf32, #tpu.memory_space<hbm>>
      %dma_wait3A_500 = tpu.memref_squeeze %dma_wait3A_499 : memref<1x50x64xf32, #tpu.memory_space<hbm>> -> memref<50x64xf32, #tpu.memory_space<hbm>>
      %dma_wait3A_501 = arith.constant 0 : i32
      %dma_wait3A_502 = arith.constant 0 : i32
      %dma_wait3A_503 = tpu.memref_slice %arg4[%mul3A_2, %dma_wait3A_501, %dma_wait3A_502] : memref<16384x50x64xf32, #tpu.memory_space<hbm>> -> memref<1x50x64xf32, #tpu.memory_space<hbm>>
      %dma_wait3A_504 = tpu.memref_squeeze %dma_wait3A_503 : memref<1x50x64xf32, #tpu.memory_space<hbm>> -> memref<50x64xf32, #tpu.memory_space<hbm>>
      %dma_wait3A_505 = arith.constant 0 : i32
      %dma_wait3A_506 = arith.constant 0 : i32
      %dma_wait3A_507 = tpu.memref_slice %arg6[%dma_wait3A_492, %dma_wait3A_505, %dma_wait3A_506] : memref<8x50x64xf32, #tpu.memory_space<vmem>> -> memref<1x50x64xf32, #tpu.memory_space<vmem>>
      %dma_wait3A_508 = tpu.memref_squeeze %dma_wait3A_507 : memref<1x50x64xf32, #tpu.memory_space<vmem>> -> memref<50x64xf32, #tpu.memory_space<vmem>>
      tpu.wait_dma2 semaphore(%arg15 : memref<!tpu.dma_semaphore, #tpu.memory_space<semaphore_mem>>) src(%dma_wait3A_508 : memref<50x64xf32, #tpu.memory_space<vmem>>) dst(%dma_wait3A_504 : memref<50x64xf32, #tpu.memory_space<hbm>>)
      %add3A_509 = arith.constant 6 : i32
      %add3A_510 = arith.addi %add3A_491, %add3A_509 : i32
      %dma_start3A_511 = arith.constant 0 : i32
      %dma_start3A_512 = arith.constant 0 : i32
      %dma_start3A_513 = arith.constant 0 : i32
      %dma_start3A_514 = tpu.memref_slice %arg6[%dma_start3A_511, %dma_start3A_512, %dma_start3A_513] : memref<8x50x64xf32, #tpu.memory_space<vmem>> -> memref<1x50x64xf32, #tpu.memory_space<vmem>>
      %dma_start3A_515 = tpu.memref_squeeze %dma_start3A_514 : memref<1x50x64xf32, #tpu.memory_space<vmem>> -> memref<50x64xf32, #tpu.memory_space<vmem>>
      %dma_start3A_516 = arith.constant 0 : i32
      %dma_start3A_517 = tpu.memref_slice %arg5[%add3A_510, %dma_start3A_516] : memref<512x50xi32, #tpu.memory_space<vmem>> -> memref<1x50xi32, #tpu.memory_space<vmem>>
      %dma_start3A_518 = tpu.memref_squeeze %dma_start3A_517 : memref<1x50xi32, #tpu.memory_space<vmem>> -> memref<50xi32, #tpu.memory_space<vmem>>
      %dma_start3A_519 = arith.constant 0 : i32
      %dma_start3A_520 = arith.constant 0 : i32
      %dma_start3A_521 = tpu.memref_slice %arg3[%dma_start3A_519, %dma_start3A_520] : memref<1000000x64xf32, #tpu.memory_space<hbm>> -> memref<1000000x64xf32, #tpu.memory_space<hbm>>
      tpu.enqueue_indirect_dma source(%dma_start3A_521 : memref<1000000x64xf32, #tpu.memory_space<hbm>>) target(%dma_start3A_515 : memref<50x64xf32, #tpu.memory_space<vmem>>) offsets(%dma_start3A_518 : memref<50xi32, #tpu.memory_space<vmem>>) semaphore(%arg7 : memref<!tpu.dma_semaphore, #tpu.memory_space<semaphore_mem>>)
      %dma_wait3A_522 = arith.constant 0 : i32
      %dma_wait3A_523 = arith.constant 2 : i32
      %dma_wait3A_524 = arith.constant 0 : i32
      %dma_wait3A_525 = arith.constant 0 : i32
      %dma_wait3A_526 = tpu.memref_slice %arg6[%dma_wait3A_523, %dma_wait3A_524, %dma_wait3A_525] : memref<8x50x64xf32, #tpu.memory_space<vmem>> -> memref<1x50x64xf32, #tpu.memory_space<vmem>>
      %dma_wait3A_527 = tpu.memref_squeeze %dma_wait3A_526 : memref<1x50x64xf32, #tpu.memory_space<vmem>> -> memref<50x64xf32, #tpu.memory_space<vmem>>
      %dma_wait3A_528 = arith.constant 0 : i32
      %dma_wait3A_529 = tpu.memref_slice %arg5[%dma_wait3A_522, %dma_wait3A_528] : memref<512x50xi32, #tpu.memory_space<vmem>> -> memref<1x50xi32, #tpu.memory_space<vmem>>
      %dma_wait3A_530 = tpu.memref_squeeze %dma_wait3A_529 : memref<1x50xi32, #tpu.memory_space<vmem>> -> memref<50xi32, #tpu.memory_space<vmem>>
      %dma_wait3A_531 = arith.constant 0 : i32
      %dma_wait3A_532 = arith.constant 0 : i32
      %dma_wait3A_533 = tpu.memref_slice %arg3[%dma_wait3A_531, %dma_wait3A_532] : memref<1000000x64xf32, #tpu.memory_space<hbm>> -> memref<1000000x64xf32, #tpu.memory_space<hbm>>
      tpu.wait_indirect_dma semaphore(%arg9 : memref<!tpu.dma_semaphore, #tpu.memory_space<semaphore_mem>>) src(%dma_wait3A_533 : memref<1000000x64xf32, #tpu.memory_space<hbm>>) dst(%dma_wait3A_527 : memref<50x64xf32, #tpu.memory_space<vmem>>)
      %add3A_534 = arith.addi %mul3A_2, %add3A_491 : i32
      %dma_start3A_535 = arith.constant 2 : i32
      %dma_start3A_536 = arith.constant 0 : i32
      %dma_start3A_537 = arith.constant 0 : i32
      %dma_start3A_538 = tpu.memref_slice %arg6[%dma_start3A_535, %dma_start3A_536, %dma_start3A_537] : memref<8x50x64xf32, #tpu.memory_space<vmem>> -> memref<1x50x64xf32, #tpu.memory_space<vmem>>
      %dma_start3A_539 = tpu.memref_squeeze %dma_start3A_538 : memref<1x50x64xf32, #tpu.memory_space<vmem>> -> memref<50x64xf32, #tpu.memory_space<vmem>>
      %dma_start3A_540 = arith.constant 0 : i32
      %dma_start3A_541 = arith.constant 0 : i32
      %dma_start3A_542 = tpu.memref_slice %arg4[%add3A_534, %dma_start3A_540, %dma_start3A_541] : memref<16384x50x64xf32, #tpu.memory_space<hbm>> -> memref<1x50x64xf32, #tpu.memory_space<hbm>>
      %dma_start3A_543 = tpu.memref_squeeze %dma_start3A_542 : memref<1x50x64xf32, #tpu.memory_space<hbm>> -> memref<50x64xf32, #tpu.memory_space<hbm>>
      %dma_start3A_544 = arith.constant 0 : i32
      %dma_start3A_545 = arith.constant 0 : i32
      %dma_start3A_546 = tpu.memref_slice %arg4[%add3A_534, %dma_start3A_544, %dma_start3A_545] : memref<16384x50x64xf32, #tpu.memory_space<hbm>> -> memref<1x50x64xf32, #tpu.memory_space<hbm>>
      %dma_start3A_547 = tpu.memref_squeeze %dma_start3A_546 : memref<1x50x64xf32, #tpu.memory_space<hbm>> -> memref<50x64xf32, #tpu.memory_space<hbm>>
      %dma_start3A_548 = arith.constant 0 : i32
      %dma_start3A_549 = arith.constant 0 : i32
      %dma_start3A_550 = tpu.memref_slice %arg6[%dma_start3A_535, %dma_start3A_548, %dma_start3A_549] : memref<8x50x64xf32, #tpu.memory_space<vmem>> -> memref<1x50x64xf32, #tpu.memory_space<vmem>>
      %dma_start3A_551 = tpu.memref_squeeze %dma_start3A_550 : memref<1x50x64xf32, #tpu.memory_space<vmem>> -> memref<50x64xf32, #tpu.memory_space<vmem>>
      tpu.enqueue_dma source(%dma_start3A_551 : memref<50x64xf32, #tpu.memory_space<vmem>>) target(%dma_start3A_547 : memref<50x64xf32, #tpu.memory_space<hbm>>) target_semaphore(%arg17 : memref<!tpu.dma_semaphore, #tpu.memory_space<semaphore_mem>>)
      %add3A_552 = arith.constant 1 : i32
      %add3A_553 = arith.addi %add3A_489, %add3A_552 : i32
      %dma_wait3A_554 = arith.constant 1 : i32
      %dma_wait3A_555 = arith.constant 0 : i32
      %dma_wait3A_556 = arith.constant 0 : i32
      %dma_wait3A_557 = tpu.memref_slice %arg6[%dma_wait3A_554, %dma_wait3A_555, %dma_wait3A_556] : memref<8x50x64xf32, #tpu.memory_space<vmem>> -> memref<1x50x64xf32, #tpu.memory_space<vmem>>
      %dma_wait3A_558 = tpu.memref_squeeze %dma_wait3A_557 : memref<1x50x64xf32, #tpu.memory_space<vmem>> -> memref<50x64xf32, #tpu.memory_space<vmem>>
      %dma_wait3A_559 = arith.constant 0 : i32
      %dma_wait3A_560 = arith.constant 0 : i32
      %dma_wait3A_561 = tpu.memref_slice %arg4[%mul3A_2, %dma_wait3A_559, %dma_wait3A_560] : memref<16384x50x64xf32, #tpu.memory_space<hbm>> -> memref<1x50x64xf32, #tpu.memory_space<hbm>>
      %dma_wait3A_562 = tpu.memref_squeeze %dma_wait3A_561 : memref<1x50x64xf32, #tpu.memory_space<hbm>> -> memref<50x64xf32, #tpu.memory_space<hbm>>
      %dma_wait3A_563 = arith.constant 0 : i32
      %dma_wait3A_564 = arith.constant 0 : i32
      %dma_wait3A_565 = tpu.memref_slice %arg4[%mul3A_2, %dma_wait3A_563, %dma_wait3A_564] : memref<16384x50x64xf32, #tpu.memory_space<hbm>> -> memref<1x50x64xf32, #tpu.memory_space<hbm>>
      %dma_wait3A_566 = tpu.memref_squeeze %dma_wait3A_565 : memref<1x50x64xf32, #tpu.memory_space<hbm>> -> memref<50x64xf32, #tpu.memory_space<hbm>>
      %dma_wait3A_567 = arith.constant 0 : i32
      %dma_wait3A_568 = arith.constant 0 : i32
      %dma_wait3A_569 = tpu.memref_slice %arg6[%dma_wait3A_554, %dma_wait3A_567, %dma_wait3A_568] : memref<8x50x64xf32, #tpu.memory_space<vmem>> -> memref<1x50x64xf32, #tpu.memory_space<vmem>>
      %dma_wait3A_570 = tpu.memref_squeeze %dma_wait3A_569 : memref<1x50x64xf32, #tpu.memory_space<vmem>> -> memref<50x64xf32, #tpu.memory_space<vmem>>
      tpu.wait_dma2 semaphore(%arg16 : memref<!tpu.dma_semaphore, #tpu.memory_space<semaphore_mem>>) src(%dma_wait3A_570 : memref<50x64xf32, #tpu.memory_space<vmem>>) dst(%dma_wait3A_566 : memref<50x64xf32, #tpu.memory_space<hbm>>)
      %add3A_571 = arith.constant 6 : i32
      %add3A_572 = arith.addi %add3A_553, %add3A_571 : i32
      %dma_start3A_573 = arith.constant 1 : i32
      %dma_start3A_574 = arith.constant 0 : i32
      %dma_start3A_575 = arith.constant 0 : i32
      %dma_start3A_576 = tpu.memref_slice %arg6[%dma_start3A_573, %dma_start3A_574, %dma_start3A_575] : memref<8x50x64xf32, #tpu.memory_space<vmem>> -> memref<1x50x64xf32, #tpu.memory_space<vmem>>
      %dma_start3A_577 = tpu.memref_squeeze %dma_start3A_576 : memref<1x50x64xf32, #tpu.memory_space<vmem>> -> memref<50x64xf32, #tpu.memory_space<vmem>>
      %dma_start3A_578 = arith.constant 0 : i32
      %dma_start3A_579 = tpu.memref_slice %arg5[%add3A_572, %dma_start3A_578] : memref<512x50xi32, #tpu.memory_space<vmem>> -> memref<1x50xi32, #tpu.memory_space<vmem>>
      %dma_start3A_580 = tpu.memref_squeeze %dma_start3A_579 : memref<1x50xi32, #tpu.memory_space<vmem>> -> memref<50xi32, #tpu.memory_space<vmem>>
      %dma_start3A_581 = arith.constant 0 : i32
      %dma_start3A_582 = arith.constant 0 : i32
      %dma_start3A_583 = tpu.memref_slice %arg3[%dma_start3A_581, %dma_start3A_582] : memref<1000000x64xf32, #tpu.memory_space<hbm>> -> memref<1000000x64xf32, #tpu.memory_space<hbm>>
      tpu.enqueue_indirect_dma source(%dma_start3A_583 : memref<1000000x64xf32, #tpu.memory_space<hbm>>) target(%dma_start3A_577 : memref<50x64xf32, #tpu.memory_space<vmem>>) offsets(%dma_start3A_580 : memref<50xi32, #tpu.memory_space<vmem>>) semaphore(%arg8 : memref<!tpu.dma_semaphore, #tpu.memory_space<semaphore_mem>>)
      %dma_wait3A_584 = arith.constant 0 : i32
      %dma_wait3A_585 = arith.constant 3 : i32
      %dma_wait3A_586 = arith.constant 0 : i32
      %dma_wait3A_587 = arith.constant 0 : i32
      %dma_wait3A_588 = tpu.memref_slice %arg6[%dma_wait3A_585, %dma_wait3A_586, %dma_wait3A_587] : memref<8x50x64xf32, #tpu.memory_space<vmem>> -> memref<1x50x64xf32, #tpu.memory_space<vmem>>
      %dma_wait3A_589 = tpu.memref_squeeze %dma_wait3A_588 : memref<1x50x64xf32, #tpu.memory_space<vmem>> -> memref<50x64xf32, #tpu.memory_space<vmem>>
      %dma_wait3A_590 = arith.constant 0 : i32
      %dma_wait3A_591 = tpu.memref_slice %arg5[%dma_wait3A_584, %dma_wait3A_590] : memref<512x50xi32, #tpu.memory_space<vmem>> -> memref<1x50xi32, #tpu.memory_space<vmem>>
      %dma_wait3A_592 = tpu.memref_squeeze %dma_wait3A_591 : memref<1x50xi32, #tpu.memory_space<vmem>> -> memref<50xi32, #tpu.memory_space<vmem>>
      %dma_wait3A_593 = arith.constant 0 : i32
      %dma_wait3A_594 = arith.constant 0 : i32
      %dma_wait3A_595 = tpu.memref_slice %arg3[%dma_wait3A_593, %dma_wait3A_594] : memref<1000000x64xf32, #tpu.memory_space<hbm>> -> memref<1000000x64xf32, #tpu.memory_space<hbm>>
      tpu.wait_indirect_dma semaphore(%arg10 : memref<!tpu.dma_semaphore, #tpu.memory_space<semaphore_mem>>) src(%dma_wait3A_595 : memref<1000000x64xf32, #tpu.memory_space<hbm>>) dst(%dma_wait3A_589 : memref<50x64xf32, #tpu.memory_space<vmem>>)
      %add3A_596 = arith.addi %mul3A_2, %add3A_553 : i32
      %dma_start3A_597 = arith.constant 3 : i32
      %dma_start3A_598 = arith.constant 0 : i32
      %dma_start3A_599 = arith.constant 0 : i32
      %dma_start3A_600 = tpu.memref_slice %arg6[%dma_start3A_597, %dma_start3A_598, %dma_start3A_599] : memref<8x50x64xf32, #tpu.memory_space<vmem>> -> memref<1x50x64xf32, #tpu.memory_space<vmem>>
      %dma_start3A_601 = tpu.memref_squeeze %dma_start3A_600 : memref<1x50x64xf32, #tpu.memory_space<vmem>> -> memref<50x64xf32, #tpu.memory_space<vmem>>
      %dma_start3A_602 = arith.constant 0 : i32
      %dma_start3A_603 = arith.constant 0 : i32
      %dma_start3A_604 = tpu.memref_slice %arg4[%add3A_596, %dma_start3A_602, %dma_start3A_603] : memref<16384x50x64xf32, #tpu.memory_space<hbm>> -> memref<1x50x64xf32, #tpu.memory_space<hbm>>
      %dma_start3A_605 = tpu.memref_squeeze %dma_start3A_604 : memref<1x50x64xf32, #tpu.memory_space<hbm>> -> memref<50x64xf32, #tpu.memory_space<hbm>>
      %dma_start3A_606 = arith.constant 0 : i32
      %dma_start3A_607 = arith.constant 0 : i32
      %dma_start3A_608 = tpu.memref_slice %arg4[%add3A_596, %dma_start3A_606, %dma_start3A_607] : memref<16384x50x64xf32, #tpu.memory_space<hbm>> -> memref<1x50x64xf32, #tpu.memory_space<hbm>>
      %dma_start3A_609 = tpu.memref_squeeze %dma_start3A_608 : memref<1x50x64xf32, #tpu.memory_space<hbm>> -> memref<50x64xf32, #tpu.memory_space<hbm>>
      %dma_start3A_610 = arith.constant 0 : i32
      %dma_start3A_611 = arith.constant 0 : i32
      %dma_start3A_612 = tpu.memref_slice %arg6[%dma_start3A_597, %dma_start3A_610, %dma_start3A_611] : memref<8x50x64xf32, #tpu.memory_space<vmem>> -> memref<1x50x64xf32, #tpu.memory_space<vmem>>
      %dma_start3A_613 = tpu.memref_squeeze %dma_start3A_612 : memref<1x50x64xf32, #tpu.memory_space<vmem>> -> memref<50x64xf32, #tpu.memory_space<vmem>>
      tpu.enqueue_dma source(%dma_start3A_613 : memref<50x64xf32, #tpu.memory_space<vmem>>) target(%dma_start3A_609 : memref<50x64xf32, #tpu.memory_space<hbm>>) target_semaphore(%arg18 : memref<!tpu.dma_semaphore, #tpu.memory_space<semaphore_mem>>)
      %add3A_614 = arith.constant 2 : i32
      %add3A_615 = arith.addi %add3A_489, %add3A_614 : i32
      %dma_wait3A_616 = arith.constant 2 : i32
      %dma_wait3A_617 = arith.constant 0 : i32
      %dma_wait3A_618 = arith.constant 0 : i32
      %dma_wait3A_619 = tpu.memref_slice %arg6[%dma_wait3A_616, %dma_wait3A_617, %dma_wait3A_618] : memref<8x50x64xf32, #tpu.memory_space<vmem>> -> memref<1x50x64xf32, #tpu.memory_space<vmem>>
      %dma_wait3A_620 = tpu.memref_squeeze %dma_wait3A_619 : memref<1x50x64xf32, #tpu.memory_space<vmem>> -> memref<50x64xf32, #tpu.memory_space<vmem>>
      %dma_wait3A_621 = arith.constant 0 : i32
      %dma_wait3A_622 = arith.constant 0 : i32
      %dma_wait3A_623 = tpu.memref_slice %arg4[%mul3A_2, %dma_wait3A_621, %dma_wait3A_622] : memref<16384x50x64xf32, #tpu.memory_space<hbm>> -> memref<1x50x64xf32, #tpu.memory_space<hbm>>
      %dma_wait3A_624 = tpu.memref_squeeze %dma_wait3A_623 : memref<1x50x64xf32, #tpu.memory_space<hbm>> -> memref<50x64xf32, #tpu.memory_space<hbm>>
      %dma_wait3A_625 = arith.constant 0 : i32
      %dma_wait3A_626 = arith.constant 0 : i32
      %dma_wait3A_627 = tpu.memref_slice %arg4[%mul3A_2, %dma_wait3A_625, %dma_wait3A_626] : memref<16384x50x64xf32, #tpu.memory_space<hbm>> -> memref<1x50x64xf32, #tpu.memory_space<hbm>>
      %dma_wait3A_628 = tpu.memref_squeeze %dma_wait3A_627 : memref<1x50x64xf32, #tpu.memory_space<hbm>> -> memref<50x64xf32, #tpu.memory_space<hbm>>
      %dma_wait3A_629 = arith.constant 0 : i32
      %dma_wait3A_630 = arith.constant 0 : i32
      %dma_wait3A_631 = tpu.memref_slice %arg6[%dma_wait3A_616, %dma_wait3A_629, %dma_wait3A_630] : memref<8x50x64xf32, #tpu.memory_space<vmem>> -> memref<1x50x64xf32, #tpu.memory_space<vmem>>
      %dma_wait3A_632 = tpu.memref_squeeze %dma_wait3A_631 : memref<1x50x64xf32, #tpu.memory_space<vmem>> -> memref<50x64xf32, #tpu.memory_space<vmem>>
      tpu.wait_dma2 semaphore(%arg17 : memref<!tpu.dma_semaphore, #tpu.memory_space<semaphore_mem>>) src(%dma_wait3A_632 : memref<50x64xf32, #tpu.memory_space<vmem>>) dst(%dma_wait3A_628 : memref<50x64xf32, #tpu.memory_space<hbm>>)
      %add3A_633 = arith.constant 6 : i32
      %add3A_634 = arith.addi %add3A_615, %add3A_633 : i32
      %dma_start3A_635 = arith.constant 2 : i32
      %dma_start3A_636 = arith.constant 0 : i32
      %dma_start3A_637 = arith.constant 0 : i32
      %dma_start3A_638 = tpu.memref_slice %arg6[%dma_start3A_635, %dma_start3A_636, %dma_start3A_637] : memref<8x50x64xf32, #tpu.memory_space<vmem>> -> memref<1x50x64xf32, #tpu.memory_space<vmem>>
      %dma_start3A_639 = tpu.memref_squeeze %dma_start3A_638 : memref<1x50x64xf32, #tpu.memory_space<vmem>> -> memref<50x64xf32, #tpu.memory_space<vmem>>
      %dma_start3A_640 = arith.constant 0 : i32
      %dma_start3A_641 = tpu.memref_slice %arg5[%add3A_634, %dma_start3A_640] : memref<512x50xi32, #tpu.memory_space<vmem>> -> memref<1x50xi32, #tpu.memory_space<vmem>>
      %dma_start3A_642 = tpu.memref_squeeze %dma_start3A_641 : memref<1x50xi32, #tpu.memory_space<vmem>> -> memref<50xi32, #tpu.memory_space<vmem>>
      %dma_start3A_643 = arith.constant 0 : i32
      %dma_start3A_644 = arith.constant 0 : i32
      %dma_start3A_645 = tpu.memref_slice %arg3[%dma_start3A_643, %dma_start3A_644] : memref<1000000x64xf32, #tpu.memory_space<hbm>> -> memref<1000000x64xf32, #tpu.memory_space<hbm>>
      tpu.enqueue_indirect_dma source(%dma_start3A_645 : memref<1000000x64xf32, #tpu.memory_space<hbm>>) target(%dma_start3A_639 : memref<50x64xf32, #tpu.memory_space<vmem>>) offsets(%dma_start3A_642 : memref<50xi32, #tpu.memory_space<vmem>>) semaphore(%arg9 : memref<!tpu.dma_semaphore, #tpu.memory_space<semaphore_mem>>)
      %dma_wait3A_646 = arith.constant 0 : i32
      %dma_wait3A_647 = arith.constant 4 : i32
      %dma_wait3A_648 = arith.constant 0 : i32
      %dma_wait3A_649 = arith.constant 0 : i32
      %dma_wait3A_650 = tpu.memref_slice %arg6[%dma_wait3A_647, %dma_wait3A_648, %dma_wait3A_649] : memref<8x50x64xf32, #tpu.memory_space<vmem>> -> memref<1x50x64xf32, #tpu.memory_space<vmem>>
      %dma_wait3A_651 = tpu.memref_squeeze %dma_wait3A_650 : memref<1x50x64xf32, #tpu.memory_space<vmem>> -> memref<50x64xf32, #tpu.memory_space<vmem>>
      %dma_wait3A_652 = arith.constant 0 : i32
      %dma_wait3A_653 = tpu.memref_slice %arg5[%dma_wait3A_646, %dma_wait3A_652] : memref<512x50xi32, #tpu.memory_space<vmem>> -> memref<1x50xi32, #tpu.memory_space<vmem>>
      %dma_wait3A_654 = tpu.memref_squeeze %dma_wait3A_653 : memref<1x50xi32, #tpu.memory_space<vmem>> -> memref<50xi32, #tpu.memory_space<vmem>>
      %dma_wait3A_655 = arith.constant 0 : i32
      %dma_wait3A_656 = arith.constant 0 : i32
      %dma_wait3A_657 = tpu.memref_slice %arg3[%dma_wait3A_655, %dma_wait3A_656] : memref<1000000x64xf32, #tpu.memory_space<hbm>> -> memref<1000000x64xf32, #tpu.memory_space<hbm>>
      tpu.wait_indirect_dma semaphore(%arg11 : memref<!tpu.dma_semaphore, #tpu.memory_space<semaphore_mem>>) src(%dma_wait3A_657 : memref<1000000x64xf32, #tpu.memory_space<hbm>>) dst(%dma_wait3A_651 : memref<50x64xf32, #tpu.memory_space<vmem>>)
      %add3A_658 = arith.addi %mul3A_2, %add3A_615 : i32
      %dma_start3A_659 = arith.constant 4 : i32
      %dma_start3A_660 = arith.constant 0 : i32
      %dma_start3A_661 = arith.constant 0 : i32
      %dma_start3A_662 = tpu.memref_slice %arg6[%dma_start3A_659, %dma_start3A_660, %dma_start3A_661] : memref<8x50x64xf32, #tpu.memory_space<vmem>> -> memref<1x50x64xf32, #tpu.memory_space<vmem>>
      %dma_start3A_663 = tpu.memref_squeeze %dma_start3A_662 : memref<1x50x64xf32, #tpu.memory_space<vmem>> -> memref<50x64xf32, #tpu.memory_space<vmem>>
      %dma_start3A_664 = arith.constant 0 : i32
      %dma_start3A_665 = arith.constant 0 : i32
      %dma_start3A_666 = tpu.memref_slice %arg4[%add3A_658, %dma_start3A_664, %dma_start3A_665] : memref<16384x50x64xf32, #tpu.memory_space<hbm>> -> memref<1x50x64xf32, #tpu.memory_space<hbm>>
      %dma_start3A_667 = tpu.memref_squeeze %dma_start3A_666 : memref<1x50x64xf32, #tpu.memory_space<hbm>> -> memref<50x64xf32, #tpu.memory_space<hbm>>
      %dma_start3A_668 = arith.constant 0 : i32
      %dma_start3A_669 = arith.constant 0 : i32
      %dma_start3A_670 = tpu.memref_slice %arg4[%add3A_658, %dma_start3A_668, %dma_start3A_669] : memref<16384x50x64xf32, #tpu.memory_space<hbm>> -> memref<1x50x64xf32, #tpu.memory_space<hbm>>
      %dma_start3A_671 = tpu.memref_squeeze %dma_start3A_670 : memref<1x50x64xf32, #tpu.memory_space<hbm>> -> memref<50x64xf32, #tpu.memory_space<hbm>>
      %dma_start3A_672 = arith.constant 0 : i32
      %dma_start3A_673 = arith.constant 0 : i32
      %dma_start3A_674 = tpu.memref_slice %arg6[%dma_start3A_659, %dma_start3A_672, %dma_start3A_673] : memref<8x50x64xf32, #tpu.memory_space<vmem>> -> memref<1x50x64xf32, #tpu.memory_space<vmem>>
      %dma_start3A_675 = tpu.memref_squeeze %dma_start3A_674 : memref<1x50x64xf32, #tpu.memory_space<vmem>> -> memref<50x64xf32, #tpu.memory_space<vmem>>
      tpu.enqueue_dma source(%dma_start3A_675 : memref<50x64xf32, #tpu.memory_space<vmem>>) target(%dma_start3A_671 : memref<50x64xf32, #tpu.memory_space<hbm>>) target_semaphore(%arg19 : memref<!tpu.dma_semaphore, #tpu.memory_space<semaphore_mem>>)
      %add3A_676 = arith.constant 3 : i32
      %add3A_677 = arith.addi %add3A_489, %add3A_676 : i32
      %dma_wait3A_678 = arith.constant 3 : i32
      %dma_wait3A_679 = arith.constant 0 : i32
      %dma_wait3A_680 = arith.constant 0 : i32
      %dma_wait3A_681 = tpu.memref_slice %arg6[%dma_wait3A_678, %dma_wait3A_679, %dma_wait3A_680] : memref<8x50x64xf32, #tpu.memory_space<vmem>> -> memref<1x50x64xf32, #tpu.memory_space<vmem>>
      %dma_wait3A_682 = tpu.memref_squeeze %dma_wait3A_681 : memref<1x50x64xf32, #tpu.memory_space<vmem>> -> memref<50x64xf32, #tpu.memory_space<vmem>>
      %dma_wait3A_683 = arith.constant 0 : i32
      %dma_wait3A_684 = arith.constant 0 : i32
      %dma_wait3A_685 = tpu.memref_slice %arg4[%mul3A_2, %dma_wait3A_683, %dma_wait3A_684] : memref<16384x50x64xf32, #tpu.memory_space<hbm>> -> memref<1x50x64xf32, #tpu.memory_space<hbm>>
      %dma_wait3A_686 = tpu.memref_squeeze %dma_wait3A_685 : memref<1x50x64xf32, #tpu.memory_space<hbm>> -> memref<50x64xf32, #tpu.memory_space<hbm>>
      %dma_wait3A_687 = arith.constant 0 : i32
      %dma_wait3A_688 = arith.constant 0 : i32
      %dma_wait3A_689 = tpu.memref_slice %arg4[%mul3A_2, %dma_wait3A_687, %dma_wait3A_688] : memref<16384x50x64xf32, #tpu.memory_space<hbm>> -> memref<1x50x64xf32, #tpu.memory_space<hbm>>
      %dma_wait3A_690 = tpu.memref_squeeze %dma_wait3A_689 : memref<1x50x64xf32, #tpu.memory_space<hbm>> -> memref<50x64xf32, #tpu.memory_space<hbm>>
      %dma_wait3A_691 = arith.constant 0 : i32
      %dma_wait3A_692 = arith.constant 0 : i32
      %dma_wait3A_693 = tpu.memref_slice %arg6[%dma_wait3A_678, %dma_wait3A_691, %dma_wait3A_692] : memref<8x50x64xf32, #tpu.memory_space<vmem>> -> memref<1x50x64xf32, #tpu.memory_space<vmem>>
      %dma_wait3A_694 = tpu.memref_squeeze %dma_wait3A_693 : memref<1x50x64xf32, #tpu.memory_space<vmem>> -> memref<50x64xf32, #tpu.memory_space<vmem>>
      tpu.wait_dma2 semaphore(%arg18 : memref<!tpu.dma_semaphore, #tpu.memory_space<semaphore_mem>>) src(%dma_wait3A_694 : memref<50x64xf32, #tpu.memory_space<vmem>>) dst(%dma_wait3A_690 : memref<50x64xf32, #tpu.memory_space<hbm>>)
      %add3A_695 = arith.constant 6 : i32
      %add3A_696 = arith.addi %add3A_677, %add3A_695 : i32
      %dma_start3A_697 = arith.constant 3 : i32
      %dma_start3A_698 = arith.constant 0 : i32
      %dma_start3A_699 = arith.constant 0 : i32
      %dma_start3A_700 = tpu.memref_slice %arg6[%dma_start3A_697, %dma_start3A_698, %dma_start3A_699] : memref<8x50x64xf32, #tpu.memory_space<vmem>> -> memref<1x50x64xf32, #tpu.memory_space<vmem>>
      %dma_start3A_701 = tpu.memref_squeeze %dma_start3A_700 : memref<1x50x64xf32, #tpu.memory_space<vmem>> -> memref<50x64xf32, #tpu.memory_space<vmem>>
      %dma_start3A_702 = arith.constant 0 : i32
      %dma_start3A_703 = tpu.memref_slice %arg5[%add3A_696, %dma_start3A_702] : memref<512x50xi32, #tpu.memory_space<vmem>> -> memref<1x50xi32, #tpu.memory_space<vmem>>
      %dma_start3A_704 = tpu.memref_squeeze %dma_start3A_703 : memref<1x50xi32, #tpu.memory_space<vmem>> -> memref<50xi32, #tpu.memory_space<vmem>>
      %dma_start3A_705 = arith.constant 0 : i32
      %dma_start3A_706 = arith.constant 0 : i32
      %dma_start3A_707 = tpu.memref_slice %arg3[%dma_start3A_705, %dma_start3A_706] : memref<1000000x64xf32, #tpu.memory_space<hbm>> -> memref<1000000x64xf32, #tpu.memory_space<hbm>>
      tpu.enqueue_indirect_dma source(%dma_start3A_707 : memref<1000000x64xf32, #tpu.memory_space<hbm>>) target(%dma_start3A_701 : memref<50x64xf32, #tpu.memory_space<vmem>>) offsets(%dma_start3A_704 : memref<50xi32, #tpu.memory_space<vmem>>) semaphore(%arg10 : memref<!tpu.dma_semaphore, #tpu.memory_space<semaphore_mem>>)
      %dma_wait3A_708 = arith.constant 0 : i32
      %dma_wait3A_709 = arith.constant 5 : i32
      %dma_wait3A_710 = arith.constant 0 : i32
      %dma_wait3A_711 = arith.constant 0 : i32
      %dma_wait3A_712 = tpu.memref_slice %arg6[%dma_wait3A_709, %dma_wait3A_710, %dma_wait3A_711] : memref<8x50x64xf32, #tpu.memory_space<vmem>> -> memref<1x50x64xf32, #tpu.memory_space<vmem>>
      %dma_wait3A_713 = tpu.memref_squeeze %dma_wait3A_712 : memref<1x50x64xf32, #tpu.memory_space<vmem>> -> memref<50x64xf32, #tpu.memory_space<vmem>>
      %dma_wait3A_714 = arith.constant 0 : i32
      %dma_wait3A_715 = tpu.memref_slice %arg5[%dma_wait3A_708, %dma_wait3A_714] : memref<512x50xi32, #tpu.memory_space<vmem>> -> memref<1x50xi32, #tpu.memory_space<vmem>>
      %dma_wait3A_716 = tpu.memref_squeeze %dma_wait3A_715 : memref<1x50xi32, #tpu.memory_space<vmem>> -> memref<50xi32, #tpu.memory_space<vmem>>
      %dma_wait3A_717 = arith.constant 0 : i32
      %dma_wait3A_718 = arith.constant 0 : i32
      %dma_wait3A_719 = tpu.memref_slice %arg3[%dma_wait3A_717, %dma_wait3A_718] : memref<1000000x64xf32, #tpu.memory_space<hbm>> -> memref<1000000x64xf32, #tpu.memory_space<hbm>>
      tpu.wait_indirect_dma semaphore(%arg12 : memref<!tpu.dma_semaphore, #tpu.memory_space<semaphore_mem>>) src(%dma_wait3A_719 : memref<1000000x64xf32, #tpu.memory_space<hbm>>) dst(%dma_wait3A_713 : memref<50x64xf32, #tpu.memory_space<vmem>>)
      %add3A_720 = arith.addi %mul3A_2, %add3A_677 : i32
      %dma_start3A_721 = arith.constant 5 : i32
      %dma_start3A_722 = arith.constant 0 : i32
      %dma_start3A_723 = arith.constant 0 : i32
      %dma_start3A_724 = tpu.memref_slice %arg6[%dma_start3A_721, %dma_start3A_722, %dma_start3A_723] : memref<8x50x64xf32, #tpu.memory_space<vmem>> -> memref<1x50x64xf32, #tpu.memory_space<vmem>>
      %dma_start3A_725 = tpu.memref_squeeze %dma_start3A_724 : memref<1x50x64xf32, #tpu.memory_space<vmem>> -> memref<50x64xf32, #tpu.memory_space<vmem>>
      %dma_start3A_726 = arith.constant 0 : i32
      %dma_start3A_727 = arith.constant 0 : i32
      %dma_start3A_728 = tpu.memref_slice %arg4[%add3A_720, %dma_start3A_726, %dma_start3A_727] : memref<16384x50x64xf32, #tpu.memory_space<hbm>> -> memref<1x50x64xf32, #tpu.memory_space<hbm>>
      %dma_start3A_729 = tpu.memref_squeeze %dma_start3A_728 : memref<1x50x64xf32, #tpu.memory_space<hbm>> -> memref<50x64xf32, #tpu.memory_space<hbm>>
      %dma_start3A_730 = arith.constant 0 : i32
      %dma_start3A_731 = arith.constant 0 : i32
      %dma_start3A_732 = tpu.memref_slice %arg4[%add3A_720, %dma_start3A_730, %dma_start3A_731] : memref<16384x50x64xf32, #tpu.memory_space<hbm>> -> memref<1x50x64xf32, #tpu.memory_space<hbm>>
      %dma_start3A_733 = tpu.memref_squeeze %dma_start3A_732 : memref<1x50x64xf32, #tpu.memory_space<hbm>> -> memref<50x64xf32, #tpu.memory_space<hbm>>
      %dma_start3A_734 = arith.constant 0 : i32
      %dma_start3A_735 = arith.constant 0 : i32
      %dma_start3A_736 = tpu.memref_slice %arg6[%dma_start3A_721, %dma_start3A_734, %dma_start3A_735] : memref<8x50x64xf32, #tpu.memory_space<vmem>> -> memref<1x50x64xf32, #tpu.memory_space<vmem>>
      %dma_start3A_737 = tpu.memref_squeeze %dma_start3A_736 : memref<1x50x64xf32, #tpu.memory_space<vmem>> -> memref<50x64xf32, #tpu.memory_space<vmem>>
      tpu.enqueue_dma source(%dma_start3A_737 : memref<50x64xf32, #tpu.memory_space<vmem>>) target(%dma_start3A_733 : memref<50x64xf32, #tpu.memory_space<hbm>>) target_semaphore(%arg20 : memref<!tpu.dma_semaphore, #tpu.memory_space<semaphore_mem>>)
      %add3A_738 = arith.constant 4 : i32
      %add3A_739 = arith.addi %add3A_489, %add3A_738 : i32
      %dma_wait3A_740 = arith.constant 4 : i32
      %dma_wait3A_741 = arith.constant 0 : i32
      %dma_wait3A_742 = arith.constant 0 : i32
      %dma_wait3A_743 = tpu.memref_slice %arg6[%dma_wait3A_740, %dma_wait3A_741, %dma_wait3A_742] : memref<8x50x64xf32, #tpu.memory_space<vmem>> -> memref<1x50x64xf32, #tpu.memory_space<vmem>>
      %dma_wait3A_744 = tpu.memref_squeeze %dma_wait3A_743 : memref<1x50x64xf32, #tpu.memory_space<vmem>> -> memref<50x64xf32, #tpu.memory_space<vmem>>
      %dma_wait3A_745 = arith.constant 0 : i32
      %dma_wait3A_746 = arith.constant 0 : i32
      %dma_wait3A_747 = tpu.memref_slice %arg4[%mul3A_2, %dma_wait3A_745, %dma_wait3A_746] : memref<16384x50x64xf32, #tpu.memory_space<hbm>> -> memref<1x50x64xf32, #tpu.memory_space<hbm>>
      %dma_wait3A_748 = tpu.memref_squeeze %dma_wait3A_747 : memref<1x50x64xf32, #tpu.memory_space<hbm>> -> memref<50x64xf32, #tpu.memory_space<hbm>>
      %dma_wait3A_749 = arith.constant 0 : i32
      %dma_wait3A_750 = arith.constant 0 : i32
      %dma_wait3A_751 = tpu.memref_slice %arg4[%mul3A_2, %dma_wait3A_749, %dma_wait3A_750] : memref<16384x50x64xf32, #tpu.memory_space<hbm>> -> memref<1x50x64xf32, #tpu.memory_space<hbm>>
      %dma_wait3A_752 = tpu.memref_squeeze %dma_wait3A_751 : memref<1x50x64xf32, #tpu.memory_space<hbm>> -> memref<50x64xf32, #tpu.memory_space<hbm>>
      %dma_wait3A_753 = arith.constant 0 : i32
      %dma_wait3A_754 = arith.constant 0 : i32
      %dma_wait3A_755 = tpu.memref_slice %arg6[%dma_wait3A_740, %dma_wait3A_753, %dma_wait3A_754] : memref<8x50x64xf32, #tpu.memory_space<vmem>> -> memref<1x50x64xf32, #tpu.memory_space<vmem>>
      %dma_wait3A_756 = tpu.memref_squeeze %dma_wait3A_755 : memref<1x50x64xf32, #tpu.memory_space<vmem>> -> memref<50x64xf32, #tpu.memory_space<vmem>>
      tpu.wait_dma2 semaphore(%arg19 : memref<!tpu.dma_semaphore, #tpu.memory_space<semaphore_mem>>) src(%dma_wait3A_756 : memref<50x64xf32, #tpu.memory_space<vmem>>) dst(%dma_wait3A_752 : memref<50x64xf32, #tpu.memory_space<hbm>>)
      %add3A_757 = arith.constant 6 : i32
      %add3A_758 = arith.addi %add3A_739, %add3A_757 : i32
      %dma_start3A_759 = arith.constant 4 : i32
      %dma_start3A_760 = arith.constant 0 : i32
      %dma_start3A_761 = arith.constant 0 : i32
      %dma_start3A_762 = tpu.memref_slice %arg6[%dma_start3A_759, %dma_start3A_760, %dma_start3A_761] : memref<8x50x64xf32, #tpu.memory_space<vmem>> -> memref<1x50x64xf32, #tpu.memory_space<vmem>>
      %dma_start3A_763 = tpu.memref_squeeze %dma_start3A_762 : memref<1x50x64xf32, #tpu.memory_space<vmem>> -> memref<50x64xf32, #tpu.memory_space<vmem>>
      %dma_start3A_764 = arith.constant 0 : i32
      %dma_start3A_765 = tpu.memref_slice %arg5[%add3A_758, %dma_start3A_764] : memref<512x50xi32, #tpu.memory_space<vmem>> -> memref<1x50xi32, #tpu.memory_space<vmem>>
      %dma_start3A_766 = tpu.memref_squeeze %dma_start3A_765 : memref<1x50xi32, #tpu.memory_space<vmem>> -> memref<50xi32, #tpu.memory_space<vmem>>
      %dma_start3A_767 = arith.constant 0 : i32
      %dma_start3A_768 = arith.constant 0 : i32
      %dma_start3A_769 = tpu.memref_slice %arg3[%dma_start3A_767, %dma_start3A_768] : memref<1000000x64xf32, #tpu.memory_space<hbm>> -> memref<1000000x64xf32, #tpu.memory_space<hbm>>
      tpu.enqueue_indirect_dma source(%dma_start3A_769 : memref<1000000x64xf32, #tpu.memory_space<hbm>>) target(%dma_start3A_763 : memref<50x64xf32, #tpu.memory_space<vmem>>) offsets(%dma_start3A_766 : memref<50xi32, #tpu.memory_space<vmem>>) semaphore(%arg11 : memref<!tpu.dma_semaphore, #tpu.memory_space<semaphore_mem>>)
      %dma_wait3A_770 = arith.constant 0 : i32
      %dma_wait3A_771 = arith.constant 6 : i32
      %dma_wait3A_772 = arith.constant 0 : i32
      %dma_wait3A_773 = arith.constant 0 : i32
      %dma_wait3A_774 = tpu.memref_slice %arg6[%dma_wait3A_771, %dma_wait3A_772, %dma_wait3A_773] : memref<8x50x64xf32, #tpu.memory_space<vmem>> -> memref<1x50x64xf32, #tpu.memory_space<vmem>>
      %dma_wait3A_775 = tpu.memref_squeeze %dma_wait3A_774 : memref<1x50x64xf32, #tpu.memory_space<vmem>> -> memref<50x64xf32, #tpu.memory_space<vmem>>
      %dma_wait3A_776 = arith.constant 0 : i32
      %dma_wait3A_777 = tpu.memref_slice %arg5[%dma_wait3A_770, %dma_wait3A_776] : memref<512x50xi32, #tpu.memory_space<vmem>> -> memref<1x50xi32, #tpu.memory_space<vmem>>
      %dma_wait3A_778 = tpu.memref_squeeze %dma_wait3A_777 : memref<1x50xi32, #tpu.memory_space<vmem>> -> memref<50xi32, #tpu.memory_space<vmem>>
      %dma_wait3A_779 = arith.constant 0 : i32
      %dma_wait3A_780 = arith.constant 0 : i32
      %dma_wait3A_781 = tpu.memref_slice %arg3[%dma_wait3A_779, %dma_wait3A_780] : memref<1000000x64xf32, #tpu.memory_space<hbm>> -> memref<1000000x64xf32, #tpu.memory_space<hbm>>
      tpu.wait_indirect_dma semaphore(%arg13 : memref<!tpu.dma_semaphore, #tpu.memory_space<semaphore_mem>>) src(%dma_wait3A_781 : memref<1000000x64xf32, #tpu.memory_space<hbm>>) dst(%dma_wait3A_775 : memref<50x64xf32, #tpu.memory_space<vmem>>)
      %add3A_782 = arith.addi %mul3A_2, %add3A_739 : i32
      %dma_start3A_783 = arith.constant 6 : i32
      %dma_start3A_784 = arith.constant 0 : i32
      %dma_start3A_785 = arith.constant 0 : i32
      %dma_start3A_786 = tpu.memref_slice %arg6[%dma_start3A_783, %dma_start3A_784, %dma_start3A_785] : memref<8x50x64xf32, #tpu.memory_space<vmem>> -> memref<1x50x64xf32, #tpu.memory_space<vmem>>
      %dma_start3A_787 = tpu.memref_squeeze %dma_start3A_786 : memref<1x50x64xf32, #tpu.memory_space<vmem>> -> memref<50x64xf32, #tpu.memory_space<vmem>>
      %dma_start3A_788 = arith.constant 0 : i32
      %dma_start3A_789 = arith.constant 0 : i32
      %dma_start3A_790 = tpu.memref_slice %arg4[%add3A_782, %dma_start3A_788, %dma_start3A_789] : memref<16384x50x64xf32, #tpu.memory_space<hbm>> -> memref<1x50x64xf32, #tpu.memory_space<hbm>>
      %dma_start3A_791 = tpu.memref_squeeze %dma_start3A_790 : memref<1x50x64xf32, #tpu.memory_space<hbm>> -> memref<50x64xf32, #tpu.memory_space<hbm>>
      %dma_start3A_792 = arith.constant 0 : i32
      %dma_start3A_793 = arith.constant 0 : i32
      %dma_start3A_794 = tpu.memref_slice %arg4[%add3A_782, %dma_start3A_792, %dma_start3A_793] : memref<16384x50x64xf32, #tpu.memory_space<hbm>> -> memref<1x50x64xf32, #tpu.memory_space<hbm>>
      %dma_start3A_795 = tpu.memref_squeeze %dma_start3A_794 : memref<1x50x64xf32, #tpu.memory_space<hbm>> -> memref<50x64xf32, #tpu.memory_space<hbm>>
      %dma_start3A_796 = arith.constant 0 : i32
      %dma_start3A_797 = arith.constant 0 : i32
      %dma_start3A_798 = tpu.memref_slice %arg6[%dma_start3A_783, %dma_start3A_796, %dma_start3A_797] : memref<8x50x64xf32, #tpu.memory_space<vmem>> -> memref<1x50x64xf32, #tpu.memory_space<vmem>>
      %dma_start3A_799 = tpu.memref_squeeze %dma_start3A_798 : memref<1x50x64xf32, #tpu.memory_space<vmem>> -> memref<50x64xf32, #tpu.memory_space<vmem>>
      tpu.enqueue_dma source(%dma_start3A_799 : memref<50x64xf32, #tpu.memory_space<vmem>>) target(%dma_start3A_795 : memref<50x64xf32, #tpu.memory_space<hbm>>) target_semaphore(%arg21 : memref<!tpu.dma_semaphore, #tpu.memory_space<semaphore_mem>>)
      %add3A_800 = arith.constant 5 : i32
      %add3A_801 = arith.addi %add3A_489, %add3A_800 : i32
      %dma_wait3A_802 = arith.constant 5 : i32
      %dma_wait3A_803 = arith.constant 0 : i32
      %dma_wait3A_804 = arith.constant 0 : i32
      %dma_wait3A_805 = tpu.memref_slice %arg6[%dma_wait3A_802, %dma_wait3A_803, %dma_wait3A_804] : memref<8x50x64xf32, #tpu.memory_space<vmem>> -> memref<1x50x64xf32, #tpu.memory_space<vmem>>
      %dma_wait3A_806 = tpu.memref_squeeze %dma_wait3A_805 : memref<1x50x64xf32, #tpu.memory_space<vmem>> -> memref<50x64xf32, #tpu.memory_space<vmem>>
      %dma_wait3A_807 = arith.constant 0 : i32
      %dma_wait3A_808 = arith.constant 0 : i32
      %dma_wait3A_809 = tpu.memref_slice %arg4[%mul3A_2, %dma_wait3A_807, %dma_wait3A_808] : memref<16384x50x64xf32, #tpu.memory_space<hbm>> -> memref<1x50x64xf32, #tpu.memory_space<hbm>>
      %dma_wait3A_810 = tpu.memref_squeeze %dma_wait3A_809 : memref<1x50x64xf32, #tpu.memory_space<hbm>> -> memref<50x64xf32, #tpu.memory_space<hbm>>
      %dma_wait3A_811 = arith.constant 0 : i32
      %dma_wait3A_812 = arith.constant 0 : i32
      %dma_wait3A_813 = tpu.memref_slice %arg4[%mul3A_2, %dma_wait3A_811, %dma_wait3A_812] : memref<16384x50x64xf32, #tpu.memory_space<hbm>> -> memref<1x50x64xf32, #tpu.memory_space<hbm>>
      %dma_wait3A_814 = tpu.memref_squeeze %dma_wait3A_813 : memref<1x50x64xf32, #tpu.memory_space<hbm>> -> memref<50x64xf32, #tpu.memory_space<hbm>>
      %dma_wait3A_815 = arith.constant 0 : i32
      %dma_wait3A_816 = arith.constant 0 : i32
      %dma_wait3A_817 = tpu.memref_slice %arg6[%dma_wait3A_802, %dma_wait3A_815, %dma_wait3A_816] : memref<8x50x64xf32, #tpu.memory_space<vmem>> -> memref<1x50x64xf32, #tpu.memory_space<vmem>>
      %dma_wait3A_818 = tpu.memref_squeeze %dma_wait3A_817 : memref<1x50x64xf32, #tpu.memory_space<vmem>> -> memref<50x64xf32, #tpu.memory_space<vmem>>
      tpu.wait_dma2 semaphore(%arg20 : memref<!tpu.dma_semaphore, #tpu.memory_space<semaphore_mem>>) src(%dma_wait3A_818 : memref<50x64xf32, #tpu.memory_space<vmem>>) dst(%dma_wait3A_814 : memref<50x64xf32, #tpu.memory_space<hbm>>)
      %add3A_819 = arith.constant 6 : i32
      %add3A_820 = arith.addi %add3A_801, %add3A_819 : i32
      %dma_start3A_821 = arith.constant 5 : i32
      %dma_start3A_822 = arith.constant 0 : i32
      %dma_start3A_823 = arith.constant 0 : i32
      %dma_start3A_824 = tpu.memref_slice %arg6[%dma_start3A_821, %dma_start3A_822, %dma_start3A_823] : memref<8x50x64xf32, #tpu.memory_space<vmem>> -> memref<1x50x64xf32, #tpu.memory_space<vmem>>
      %dma_start3A_825 = tpu.memref_squeeze %dma_start3A_824 : memref<1x50x64xf32, #tpu.memory_space<vmem>> -> memref<50x64xf32, #tpu.memory_space<vmem>>
      %dma_start3A_826 = arith.constant 0 : i32
      %dma_start3A_827 = tpu.memref_slice %arg5[%add3A_820, %dma_start3A_826] : memref<512x50xi32, #tpu.memory_space<vmem>> -> memref<1x50xi32, #tpu.memory_space<vmem>>
      %dma_start3A_828 = tpu.memref_squeeze %dma_start3A_827 : memref<1x50xi32, #tpu.memory_space<vmem>> -> memref<50xi32, #tpu.memory_space<vmem>>
      %dma_start3A_829 = arith.constant 0 : i32
      %dma_start3A_830 = arith.constant 0 : i32
      %dma_start3A_831 = tpu.memref_slice %arg3[%dma_start3A_829, %dma_start3A_830] : memref<1000000x64xf32, #tpu.memory_space<hbm>> -> memref<1000000x64xf32, #tpu.memory_space<hbm>>
      tpu.enqueue_indirect_dma source(%dma_start3A_831 : memref<1000000x64xf32, #tpu.memory_space<hbm>>) target(%dma_start3A_825 : memref<50x64xf32, #tpu.memory_space<vmem>>) offsets(%dma_start3A_828 : memref<50xi32, #tpu.memory_space<vmem>>) semaphore(%arg12 : memref<!tpu.dma_semaphore, #tpu.memory_space<semaphore_mem>>)
      %dma_wait3A_832 = arith.constant 0 : i32
      %dma_wait3A_833 = arith.constant 7 : i32
      %dma_wait3A_834 = arith.constant 0 : i32
      %dma_wait3A_835 = arith.constant 0 : i32
      %dma_wait3A_836 = tpu.memref_slice %arg6[%dma_wait3A_833, %dma_wait3A_834, %dma_wait3A_835] : memref<8x50x64xf32, #tpu.memory_space<vmem>> -> memref<1x50x64xf32, #tpu.memory_space<vmem>>
      %dma_wait3A_837 = tpu.memref_squeeze %dma_wait3A_836 : memref<1x50x64xf32, #tpu.memory_space<vmem>> -> memref<50x64xf32, #tpu.memory_space<vmem>>
      %dma_wait3A_838 = arith.constant 0 : i32
      %dma_wait3A_839 = tpu.memref_slice %arg5[%dma_wait3A_832, %dma_wait3A_838] : memref<512x50xi32, #tpu.memory_space<vmem>> -> memref<1x50xi32, #tpu.memory_space<vmem>>
      %dma_wait3A_840 = tpu.memref_squeeze %dma_wait3A_839 : memref<1x50xi32, #tpu.memory_space<vmem>> -> memref<50xi32, #tpu.memory_space<vmem>>
      %dma_wait3A_841 = arith.constant 0 : i32
      %dma_wait3A_842 = arith.constant 0 : i32
      %dma_wait3A_843 = tpu.memref_slice %arg3[%dma_wait3A_841, %dma_wait3A_842] : memref<1000000x64xf32, #tpu.memory_space<hbm>> -> memref<1000000x64xf32, #tpu.memory_space<hbm>>
      tpu.wait_indirect_dma semaphore(%arg14 : memref<!tpu.dma_semaphore, #tpu.memory_space<semaphore_mem>>) src(%dma_wait3A_843 : memref<1000000x64xf32, #tpu.memory_space<hbm>>) dst(%dma_wait3A_837 : memref<50x64xf32, #tpu.memory_space<vmem>>)
      %add3A_844 = arith.addi %mul3A_2, %add3A_801 : i32
      %dma_start3A_845 = arith.constant 7 : i32
      %dma_start3A_846 = arith.constant 0 : i32
      %dma_start3A_847 = arith.constant 0 : i32
      %dma_start3A_848 = tpu.memref_slice %arg6[%dma_start3A_845, %dma_start3A_846, %dma_start3A_847] : memref<8x50x64xf32, #tpu.memory_space<vmem>> -> memref<1x50x64xf32, #tpu.memory_space<vmem>>
      %dma_start3A_849 = tpu.memref_squeeze %dma_start3A_848 : memref<1x50x64xf32, #tpu.memory_space<vmem>> -> memref<50x64xf32, #tpu.memory_space<vmem>>
      %dma_start3A_850 = arith.constant 0 : i32
      %dma_start3A_851 = arith.constant 0 : i32
      %dma_start3A_852 = tpu.memref_slice %arg4[%add3A_844, %dma_start3A_850, %dma_start3A_851] : memref<16384x50x64xf32, #tpu.memory_space<hbm>> -> memref<1x50x64xf32, #tpu.memory_space<hbm>>
      %dma_start3A_853 = tpu.memref_squeeze %dma_start3A_852 : memref<1x50x64xf32, #tpu.memory_space<hbm>> -> memref<50x64xf32, #tpu.memory_space<hbm>>
      %dma_start3A_854 = arith.constant 0 : i32
      %dma_start3A_855 = arith.constant 0 : i32
      %dma_start3A_856 = tpu.memref_slice %arg4[%add3A_844, %dma_start3A_854, %dma_start3A_855] : memref<16384x50x64xf32, #tpu.memory_space<hbm>> -> memref<1x50x64xf32, #tpu.memory_space<hbm>>
      %dma_start3A_857 = tpu.memref_squeeze %dma_start3A_856 : memref<1x50x64xf32, #tpu.memory_space<hbm>> -> memref<50x64xf32, #tpu.memory_space<hbm>>
      %dma_start3A_858 = arith.constant 0 : i32
      %dma_start3A_859 = arith.constant 0 : i32
      %dma_start3A_860 = tpu.memref_slice %arg6[%dma_start3A_845, %dma_start3A_858, %dma_start3A_859] : memref<8x50x64xf32, #tpu.memory_space<vmem>> -> memref<1x50x64xf32, #tpu.memory_space<vmem>>
      %dma_start3A_861 = tpu.memref_squeeze %dma_start3A_860 : memref<1x50x64xf32, #tpu.memory_space<vmem>> -> memref<50x64xf32, #tpu.memory_space<vmem>>
      tpu.enqueue_dma source(%dma_start3A_861 : memref<50x64xf32, #tpu.memory_space<vmem>>) target(%dma_start3A_857 : memref<50x64xf32, #tpu.memory_space<hbm>>) target_semaphore(%arg22 : memref<!tpu.dma_semaphore, #tpu.memory_space<semaphore_mem>>)
      %add3A_862 = arith.constant 6 : i32
      %add3A_863 = arith.addi %add3A_489, %add3A_862 : i32
      %dma_wait3A_864 = arith.constant 6 : i32
      %dma_wait3A_865 = arith.constant 0 : i32
      %dma_wait3A_866 = arith.constant 0 : i32
      %dma_wait3A_867 = tpu.memref_slice %arg6[%dma_wait3A_864, %dma_wait3A_865, %dma_wait3A_866] : memref<8x50x64xf32, #tpu.memory_space<vmem>> -> memref<1x50x64xf32, #tpu.memory_space<vmem>>
      %dma_wait3A_868 = tpu.memref_squeeze %dma_wait3A_867 : memref<1x50x64xf32, #tpu.memory_space<vmem>> -> memref<50x64xf32, #tpu.memory_space<vmem>>
      %dma_wait3A_869 = arith.constant 0 : i32
      %dma_wait3A_870 = arith.constant 0 : i32
      %dma_wait3A_871 = tpu.memref_slice %arg4[%mul3A_2, %dma_wait3A_869, %dma_wait3A_870] : memref<16384x50x64xf32, #tpu.memory_space<hbm>> -> memref<1x50x64xf32, #tpu.memory_space<hbm>>
      %dma_wait3A_872 = tpu.memref_squeeze %dma_wait3A_871 : memref<1x50x64xf32, #tpu.memory_space<hbm>> -> memref<50x64xf32, #tpu.memory_space<hbm>>
      %dma_wait3A_873 = arith.constant 0 : i32
      %dma_wait3A_874 = arith.constant 0 : i32
      %dma_wait3A_875 = tpu.memref_slice %arg4[%mul3A_2, %dma_wait3A_873, %dma_wait3A_874] : memref<16384x50x64xf32, #tpu.memory_space<hbm>> -> memref<1x50x64xf32, #tpu.memory_space<hbm>>
      %dma_wait3A_876 = tpu.memref_squeeze %dma_wait3A_875 : memref<1x50x64xf32, #tpu.memory_space<hbm>> -> memref<50x64xf32, #tpu.memory_space<hbm>>
      %dma_wait3A_877 = arith.constant 0 : i32
      %dma_wait3A_878 = arith.constant 0 : i32
      %dma_wait3A_879 = tpu.memref_slice %arg6[%dma_wait3A_864, %dma_wait3A_877, %dma_wait3A_878] : memref<8x50x64xf32, #tpu.memory_space<vmem>> -> memref<1x50x64xf32, #tpu.memory_space<vmem>>
      %dma_wait3A_880 = tpu.memref_squeeze %dma_wait3A_879 : memref<1x50x64xf32, #tpu.memory_space<vmem>> -> memref<50x64xf32, #tpu.memory_space<vmem>>
      tpu.wait_dma2 semaphore(%arg21 : memref<!tpu.dma_semaphore, #tpu.memory_space<semaphore_mem>>) src(%dma_wait3A_880 : memref<50x64xf32, #tpu.memory_space<vmem>>) dst(%dma_wait3A_876 : memref<50x64xf32, #tpu.memory_space<hbm>>)
      %add3A_881 = arith.constant 6 : i32
      %add3A_882 = arith.addi %add3A_863, %add3A_881 : i32
      %dma_start3A_883 = arith.constant 6 : i32
      %dma_start3A_884 = arith.constant 0 : i32
      %dma_start3A_885 = arith.constant 0 : i32
      %dma_start3A_886 = tpu.memref_slice %arg6[%dma_start3A_883, %dma_start3A_884, %dma_start3A_885] : memref<8x50x64xf32, #tpu.memory_space<vmem>> -> memref<1x50x64xf32, #tpu.memory_space<vmem>>
      %dma_start3A_887 = tpu.memref_squeeze %dma_start3A_886 : memref<1x50x64xf32, #tpu.memory_space<vmem>> -> memref<50x64xf32, #tpu.memory_space<vmem>>
      %dma_start3A_888 = arith.constant 0 : i32
      %dma_start3A_889 = tpu.memref_slice %arg5[%add3A_882, %dma_start3A_888] : memref<512x50xi32, #tpu.memory_space<vmem>> -> memref<1x50xi32, #tpu.memory_space<vmem>>
      %dma_start3A_890 = tpu.memref_squeeze %dma_start3A_889 : memref<1x50xi32, #tpu.memory_space<vmem>> -> memref<50xi32, #tpu.memory_space<vmem>>
      %dma_start3A_891 = arith.constant 0 : i32
      %dma_start3A_892 = arith.constant 0 : i32
      %dma_start3A_893 = tpu.memref_slice %arg3[%dma_start3A_891, %dma_start3A_892] : memref<1000000x64xf32, #tpu.memory_space<hbm>> -> memref<1000000x64xf32, #tpu.memory_space<hbm>>
      tpu.enqueue_indirect_dma source(%dma_start3A_893 : memref<1000000x64xf32, #tpu.memory_space<hbm>>) target(%dma_start3A_887 : memref<50x64xf32, #tpu.memory_space<vmem>>) offsets(%dma_start3A_890 : memref<50xi32, #tpu.memory_space<vmem>>) semaphore(%arg13 : memref<!tpu.dma_semaphore, #tpu.memory_space<semaphore_mem>>)
      %dma_wait3A_894 = arith.constant 0 : i32
      %dma_wait3A_895 = arith.constant 0 : i32
      %dma_wait3A_896 = arith.constant 0 : i32
      %dma_wait3A_897 = arith.constant 0 : i32
      %dma_wait3A_898 = tpu.memref_slice %arg6[%dma_wait3A_895, %dma_wait3A_896, %dma_wait3A_897] : memref<8x50x64xf32, #tpu.memory_space<vmem>> -> memref<1x50x64xf32, #tpu.memory_space<vmem>>
      %dma_wait3A_899 = tpu.memref_squeeze %dma_wait3A_898 : memref<1x50x64xf32, #tpu.memory_space<vmem>> -> memref<50x64xf32, #tpu.memory_space<vmem>>
      %dma_wait3A_900 = arith.constant 0 : i32
      %dma_wait3A_901 = tpu.memref_slice %arg5[%dma_wait3A_894, %dma_wait3A_900] : memref<512x50xi32, #tpu.memory_space<vmem>> -> memref<1x50xi32, #tpu.memory_space<vmem>>
      %dma_wait3A_902 = tpu.memref_squeeze %dma_wait3A_901 : memref<1x50xi32, #tpu.memory_space<vmem>> -> memref<50xi32, #tpu.memory_space<vmem>>
      %dma_wait3A_903 = arith.constant 0 : i32
      %dma_wait3A_904 = arith.constant 0 : i32
      %dma_wait3A_905 = tpu.memref_slice %arg3[%dma_wait3A_903, %dma_wait3A_904] : memref<1000000x64xf32, #tpu.memory_space<hbm>> -> memref<1000000x64xf32, #tpu.memory_space<hbm>>
      tpu.wait_indirect_dma semaphore(%arg7 : memref<!tpu.dma_semaphore, #tpu.memory_space<semaphore_mem>>) src(%dma_wait3A_905 : memref<1000000x64xf32, #tpu.memory_space<hbm>>) dst(%dma_wait3A_899 : memref<50x64xf32, #tpu.memory_space<vmem>>)
      %add3A_906 = arith.addi %mul3A_2, %add3A_863 : i32
      %dma_start3A_907 = arith.constant 0 : i32
      %dma_start3A_908 = arith.constant 0 : i32
      %dma_start3A_909 = arith.constant 0 : i32
      %dma_start3A_910 = tpu.memref_slice %arg6[%dma_start3A_907, %dma_start3A_908, %dma_start3A_909] : memref<8x50x64xf32, #tpu.memory_space<vmem>> -> memref<1x50x64xf32, #tpu.memory_space<vmem>>
      %dma_start3A_911 = tpu.memref_squeeze %dma_start3A_910 : memref<1x50x64xf32, #tpu.memory_space<vmem>> -> memref<50x64xf32, #tpu.memory_space<vmem>>
      %dma_start3A_912 = arith.constant 0 : i32
      %dma_start3A_913 = arith.constant 0 : i32
      %dma_start3A_914 = tpu.memref_slice %arg4[%add3A_906, %dma_start3A_912, %dma_start3A_913] : memref<16384x50x64xf32, #tpu.memory_space<hbm>> -> memref<1x50x64xf32, #tpu.memory_space<hbm>>
      %dma_start3A_915 = tpu.memref_squeeze %dma_start3A_914 : memref<1x50x64xf32, #tpu.memory_space<hbm>> -> memref<50x64xf32, #tpu.memory_space<hbm>>
      %dma_start3A_916 = arith.constant 0 : i32
      %dma_start3A_917 = arith.constant 0 : i32
      %dma_start3A_918 = tpu.memref_slice %arg4[%add3A_906, %dma_start3A_916, %dma_start3A_917] : memref<16384x50x64xf32, #tpu.memory_space<hbm>> -> memref<1x50x64xf32, #tpu.memory_space<hbm>>
      %dma_start3A_919 = tpu.memref_squeeze %dma_start3A_918 : memref<1x50x64xf32, #tpu.memory_space<hbm>> -> memref<50x64xf32, #tpu.memory_space<hbm>>
      %dma_start3A_920 = arith.constant 0 : i32
      %dma_start3A_921 = arith.constant 0 : i32
      %dma_start3A_922 = tpu.memref_slice %arg6[%dma_start3A_907, %dma_start3A_920, %dma_start3A_921] : memref<8x50x64xf32, #tpu.memory_space<vmem>> -> memref<1x50x64xf32, #tpu.memory_space<vmem>>
      %dma_start3A_923 = tpu.memref_squeeze %dma_start3A_922 : memref<1x50x64xf32, #tpu.memory_space<vmem>> -> memref<50x64xf32, #tpu.memory_space<vmem>>
      tpu.enqueue_dma source(%dma_start3A_923 : memref<50x64xf32, #tpu.memory_space<vmem>>) target(%dma_start3A_919 : memref<50x64xf32, #tpu.memory_space<hbm>>) target_semaphore(%arg15 : memref<!tpu.dma_semaphore, #tpu.memory_space<semaphore_mem>>)
      %add3A_924 = arith.constant 7 : i32
      %add3A_925 = arith.addi %add3A_489, %add3A_924 : i32
      %dma_wait3A_926 = arith.constant 7 : i32
      %dma_wait3A_927 = arith.constant 0 : i32
      %dma_wait3A_928 = arith.constant 0 : i32
      %dma_wait3A_929 = tpu.memref_slice %arg6[%dma_wait3A_926, %dma_wait3A_927, %dma_wait3A_928] : memref<8x50x64xf32, #tpu.memory_space<vmem>> -> memref<1x50x64xf32, #tpu.memory_space<vmem>>
      %dma_wait3A_930 = tpu.memref_squeeze %dma_wait3A_929 : memref<1x50x64xf32, #tpu.memory_space<vmem>> -> memref<50x64xf32, #tpu.memory_space<vmem>>
      %dma_wait3A_931 = arith.constant 0 : i32
      %dma_wait3A_932 = arith.constant 0 : i32
      %dma_wait3A_933 = tpu.memref_slice %arg4[%mul3A_2, %dma_wait3A_931, %dma_wait3A_932] : memref<16384x50x64xf32, #tpu.memory_space<hbm>> -> memref<1x50x64xf32, #tpu.memory_space<hbm>>
      %dma_wait3A_934 = tpu.memref_squeeze %dma_wait3A_933 : memref<1x50x64xf32, #tpu.memory_space<hbm>> -> memref<50x64xf32, #tpu.memory_space<hbm>>
      %dma_wait3A_935 = arith.constant 0 : i32
      %dma_wait3A_936 = arith.constant 0 : i32
      %dma_wait3A_937 = tpu.memref_slice %arg4[%mul3A_2, %dma_wait3A_935, %dma_wait3A_936] : memref<16384x50x64xf32, #tpu.memory_space<hbm>> -> memref<1x50x64xf32, #tpu.memory_space<hbm>>
      %dma_wait3A_938 = tpu.memref_squeeze %dma_wait3A_937 : memref<1x50x64xf32, #tpu.memory_space<hbm>> -> memref<50x64xf32, #tpu.memory_space<hbm>>
      %dma_wait3A_939 = arith.constant 0 : i32
      %dma_wait3A_940 = arith.constant 0 : i32
      %dma_wait3A_941 = tpu.memref_slice %arg6[%dma_wait3A_926, %dma_wait3A_939, %dma_wait3A_940] : memref<8x50x64xf32, #tpu.memory_space<vmem>> -> memref<1x50x64xf32, #tpu.memory_space<vmem>>
      %dma_wait3A_942 = tpu.memref_squeeze %dma_wait3A_941 : memref<1x50x64xf32, #tpu.memory_space<vmem>> -> memref<50x64xf32, #tpu.memory_space<vmem>>
      tpu.wait_dma2 semaphore(%arg22 : memref<!tpu.dma_semaphore, #tpu.memory_space<semaphore_mem>>) src(%dma_wait3A_942 : memref<50x64xf32, #tpu.memory_space<vmem>>) dst(%dma_wait3A_938 : memref<50x64xf32, #tpu.memory_space<hbm>>)
      %add3A_943 = arith.constant 6 : i32
      %add3A_944 = arith.addi %add3A_925, %add3A_943 : i32
      %dma_start3A_945 = arith.constant 7 : i32
      %dma_start3A_946 = arith.constant 0 : i32
      %dma_start3A_947 = arith.constant 0 : i32
      %dma_start3A_948 = tpu.memref_slice %arg6[%dma_start3A_945, %dma_start3A_946, %dma_start3A_947] : memref<8x50x64xf32, #tpu.memory_space<vmem>> -> memref<1x50x64xf32, #tpu.memory_space<vmem>>
      %dma_start3A_949 = tpu.memref_squeeze %dma_start3A_948 : memref<1x50x64xf32, #tpu.memory_space<vmem>> -> memref<50x64xf32, #tpu.memory_space<vmem>>
      %dma_start3A_950 = arith.constant 0 : i32
      %dma_start3A_951 = tpu.memref_slice %arg5[%add3A_944, %dma_start3A_950] : memref<512x50xi32, #tpu.memory_space<vmem>> -> memref<1x50xi32, #tpu.memory_space<vmem>>
      %dma_start3A_952 = tpu.memref_squeeze %dma_start3A_951 : memref<1x50xi32, #tpu.memory_space<vmem>> -> memref<50xi32, #tpu.memory_space<vmem>>
      %dma_start3A_953 = arith.constant 0 : i32
      %dma_start3A_954 = arith.constant 0 : i32
      %dma_start3A_955 = tpu.memref_slice %arg3[%dma_start3A_953, %dma_start3A_954] : memref<1000000x64xf32, #tpu.memory_space<hbm>> -> memref<1000000x64xf32, #tpu.memory_space<hbm>>
      tpu.enqueue_indirect_dma source(%dma_start3A_955 : memref<1000000x64xf32, #tpu.memory_space<hbm>>) target(%dma_start3A_949 : memref<50x64xf32, #tpu.memory_space<vmem>>) offsets(%dma_start3A_952 : memref<50xi32, #tpu.memory_space<vmem>>) semaphore(%arg14 : memref<!tpu.dma_semaphore, #tpu.memory_space<semaphore_mem>>)
      %dma_wait3A_956 = arith.constant 0 : i32
      %dma_wait3A_957 = arith.constant 1 : i32
      %dma_wait3A_958 = arith.constant 0 : i32
      %dma_wait3A_959 = arith.constant 0 : i32
      %dma_wait3A_960 = tpu.memref_slice %arg6[%dma_wait3A_957, %dma_wait3A_958, %dma_wait3A_959] : memref<8x50x64xf32, #tpu.memory_space<vmem>> -> memref<1x50x64xf32, #tpu.memory_space<vmem>>
      %dma_wait3A_961 = tpu.memref_squeeze %dma_wait3A_960 : memref<1x50x64xf32, #tpu.memory_space<vmem>> -> memref<50x64xf32, #tpu.memory_space<vmem>>
      %dma_wait3A_962 = arith.constant 0 : i32
      %dma_wait3A_963 = tpu.memref_slice %arg5[%dma_wait3A_956, %dma_wait3A_962] : memref<512x50xi32, #tpu.memory_space<vmem>> -> memref<1x50xi32, #tpu.memory_space<vmem>>
      %dma_wait3A_964 = tpu.memref_squeeze %dma_wait3A_963 : memref<1x50xi32, #tpu.memory_space<vmem>> -> memref<50xi32, #tpu.memory_space<vmem>>
      %dma_wait3A_965 = arith.constant 0 : i32
      %dma_wait3A_966 = arith.constant 0 : i32
      %dma_wait3A_967 = tpu.memref_slice %arg3[%dma_wait3A_965, %dma_wait3A_966] : memref<1000000x64xf32, #tpu.memory_space<hbm>> -> memref<1000000x64xf32, #tpu.memory_space<hbm>>
      tpu.wait_indirect_dma semaphore(%arg8 : memref<!tpu.dma_semaphore, #tpu.memory_space<semaphore_mem>>) src(%dma_wait3A_967 : memref<1000000x64xf32, #tpu.memory_space<hbm>>) dst(%dma_wait3A_961 : memref<50x64xf32, #tpu.memory_space<vmem>>)
      %add3A_968 = arith.addi %mul3A_2, %add3A_925 : i32
      %dma_start3A_969 = arith.constant 1 : i32
      %dma_start3A_970 = arith.constant 0 : i32
      %dma_start3A_971 = arith.constant 0 : i32
      %dma_start3A_972 = tpu.memref_slice %arg6[%dma_start3A_969, %dma_start3A_970, %dma_start3A_971] : memref<8x50x64xf32, #tpu.memory_space<vmem>> -> memref<1x50x64xf32, #tpu.memory_space<vmem>>
      %dma_start3A_973 = tpu.memref_squeeze %dma_start3A_972 : memref<1x50x64xf32, #tpu.memory_space<vmem>> -> memref<50x64xf32, #tpu.memory_space<vmem>>
      %dma_start3A_974 = arith.constant 0 : i32
      %dma_start3A_975 = arith.constant 0 : i32
      %dma_start3A_976 = tpu.memref_slice %arg4[%add3A_968, %dma_start3A_974, %dma_start3A_975] : memref<16384x50x64xf32, #tpu.memory_space<hbm>> -> memref<1x50x64xf32, #tpu.memory_space<hbm>>
      %dma_start3A_977 = tpu.memref_squeeze %dma_start3A_976 : memref<1x50x64xf32, #tpu.memory_space<hbm>> -> memref<50x64xf32, #tpu.memory_space<hbm>>
      %dma_start3A_978 = arith.constant 0 : i32
      %dma_start3A_979 = arith.constant 0 : i32
      %dma_start3A_980 = tpu.memref_slice %arg4[%add3A_968, %dma_start3A_978, %dma_start3A_979] : memref<16384x50x64xf32, #tpu.memory_space<hbm>> -> memref<1x50x64xf32, #tpu.memory_space<hbm>>
      %dma_start3A_981 = tpu.memref_squeeze %dma_start3A_980 : memref<1x50x64xf32, #tpu.memory_space<hbm>> -> memref<50x64xf32, #tpu.memory_space<hbm>>
      %dma_start3A_982 = arith.constant 0 : i32
      %dma_start3A_983 = arith.constant 0 : i32
      %dma_start3A_984 = tpu.memref_slice %arg6[%dma_start3A_969, %dma_start3A_982, %dma_start3A_983] : memref<8x50x64xf32, #tpu.memory_space<vmem>> -> memref<1x50x64xf32, #tpu.memory_space<vmem>>
      %dma_start3A_985 = tpu.memref_squeeze %dma_start3A_984 : memref<1x50x64xf32, #tpu.memory_space<vmem>> -> memref<50x64xf32, #tpu.memory_space<vmem>>
      tpu.enqueue_dma source(%dma_start3A_985 : memref<50x64xf32, #tpu.memory_space<vmem>>) target(%dma_start3A_981 : memref<50x64xf32, #tpu.memory_space<hbm>>) target_semaphore(%arg16 : memref<!tpu.dma_semaphore, #tpu.memory_space<semaphore_mem>>)
    }
    %scan3A_162 = arith.constant 63 : i32
    %dma_wait3A_163 = arith.constant 0 : i32
    %dma_wait3A_164 = arith.constant 2 : i32
    %dma_wait3A_165 = arith.constant 0 : i32
    %dma_wait3A_166 = arith.constant 0 : i32
    %dma_wait3A_167 = tpu.memref_slice %arg6[%dma_wait3A_164, %dma_wait3A_165, %dma_wait3A_166] : memref<8x50x64xf32, #tpu.memory_space<vmem>> -> memref<1x50x64xf32, #tpu.memory_space<vmem>>
    %dma_wait3A_168 = tpu.memref_squeeze %dma_wait3A_167 : memref<1x50x64xf32, #tpu.memory_space<vmem>> -> memref<50x64xf32, #tpu.memory_space<vmem>>
    %dma_wait3A_169 = arith.constant 0 : i32
    %dma_wait3A_170 = tpu.memref_slice %arg5[%dma_wait3A_163, %dma_wait3A_169] : memref<512x50xi32, #tpu.memory_space<vmem>> -> memref<1x50xi32, #tpu.memory_space<vmem>>
    %dma_wait3A_171 = tpu.memref_squeeze %dma_wait3A_170 : memref<1x50xi32, #tpu.memory_space<vmem>> -> memref<50xi32, #tpu.memory_space<vmem>>
    %dma_wait3A_172 = arith.constant 0 : i32
    %dma_wait3A_173 = arith.constant 0 : i32
    %dma_wait3A_174 = tpu.memref_slice %arg3[%dma_wait3A_172, %dma_wait3A_173] : memref<1000000x64xf32, #tpu.memory_space<hbm>> -> memref<1000000x64xf32, #tpu.memory_space<hbm>>
    tpu.wait_indirect_dma semaphore(%arg9 : memref<!tpu.dma_semaphore, #tpu.memory_space<semaphore_mem>>) src(%dma_wait3A_174 : memref<1000000x64xf32, #tpu.memory_space<hbm>>) dst(%dma_wait3A_168 : memref<50x64xf32, #tpu.memory_space<vmem>>)
    %add3A_175 = arith.constant 506 : i32
    %add3A_176 = arith.addi %mul3A_2, %add3A_175 : i32
    %dma_start3A_177 = arith.constant 2 : i32
    %dma_start3A_178 = arith.constant 0 : i32
    %dma_start3A_179 = arith.constant 0 : i32
    %dma_start3A_180 = tpu.memref_slice %arg6[%dma_start3A_177, %dma_start3A_178, %dma_start3A_179] : memref<8x50x64xf32, #tpu.memory_space<vmem>> -> memref<1x50x64xf32, #tpu.memory_space<vmem>>
    %dma_start3A_181 = tpu.memref_squeeze %dma_start3A_180 : memref<1x50x64xf32, #tpu.memory_space<vmem>> -> memref<50x64xf32, #tpu.memory_space<vmem>>
    %dma_start3A_182 = arith.constant 0 : i32
    %dma_start3A_183 = arith.constant 0 : i32
    %dma_start3A_184 = tpu.memref_slice %arg4[%add3A_176, %dma_start3A_182, %dma_start3A_183] : memref<16384x50x64xf32, #tpu.memory_space<hbm>> -> memref<1x50x64xf32, #tpu.memory_space<hbm>>
    %dma_start3A_185 = tpu.memref_squeeze %dma_start3A_184 : memref<1x50x64xf32, #tpu.memory_space<hbm>> -> memref<50x64xf32, #tpu.memory_space<hbm>>
    %dma_start3A_186 = arith.constant 0 : i32
    %dma_start3A_187 = arith.constant 0 : i32
    %dma_start3A_188 = tpu.memref_slice %arg4[%add3A_176, %dma_start3A_186, %dma_start3A_187] : memref<16384x50x64xf32, #tpu.memory_space<hbm>> -> memref<1x50x64xf32, #tpu.memory_space<hbm>>
    %dma_start3A_189 = tpu.memref_squeeze %dma_start3A_188 : memref<1x50x64xf32, #tpu.memory_space<hbm>> -> memref<50x64xf32, #tpu.memory_space<hbm>>
    %dma_start3A_190 = arith.constant 0 : i32
    %dma_start3A_191 = arith.constant 0 : i32
    %dma_start3A_192 = tpu.memref_slice %arg6[%dma_start3A_177, %dma_start3A_190, %dma_start3A_191] : memref<8x50x64xf32, #tpu.memory_space<vmem>> -> memref<1x50x64xf32, #tpu.memory_space<vmem>>
    %dma_start3A_193 = tpu.memref_squeeze %dma_start3A_192 : memref<1x50x64xf32, #tpu.memory_space<vmem>> -> memref<50x64xf32, #tpu.memory_space<vmem>>
    tpu.enqueue_dma source(%dma_start3A_193 : memref<50x64xf32, #tpu.memory_space<vmem>>) target(%dma_start3A_189 : memref<50x64xf32, #tpu.memory_space<hbm>>) target_semaphore(%arg17 : memref<!tpu.dma_semaphore, #tpu.memory_space<semaphore_mem>>)
    %dma_wait3A_194 = arith.constant 0 : i32
    %dma_wait3A_195 = arith.constant 3 : i32
    %dma_wait3A_196 = arith.constant 0 : i32
    %dma_wait3A_197 = arith.constant 0 : i32
    %dma_wait3A_198 = tpu.memref_slice %arg6[%dma_wait3A_195, %dma_wait3A_196, %dma_wait3A_197] : memref<8x50x64xf32, #tpu.memory_space<vmem>> -> memref<1x50x64xf32, #tpu.memory_space<vmem>>
    %dma_wait3A_199 = tpu.memref_squeeze %dma_wait3A_198 : memref<1x50x64xf32, #tpu.memory_space<vmem>> -> memref<50x64xf32, #tpu.memory_space<vmem>>
    %dma_wait3A_200 = arith.constant 0 : i32
    %dma_wait3A_201 = tpu.memref_slice %arg5[%dma_wait3A_194, %dma_wait3A_200] : memref<512x50xi32, #tpu.memory_space<vmem>> -> memref<1x50xi32, #tpu.memory_space<vmem>>
    %dma_wait3A_202 = tpu.memref_squeeze %dma_wait3A_201 : memref<1x50xi32, #tpu.memory_space<vmem>> -> memref<50xi32, #tpu.memory_space<vmem>>
    %dma_wait3A_203 = arith.constant 0 : i32
    %dma_wait3A_204 = arith.constant 0 : i32
    %dma_wait3A_205 = tpu.memref_slice %arg3[%dma_wait3A_203, %dma_wait3A_204] : memref<1000000x64xf32, #tpu.memory_space<hbm>> -> memref<1000000x64xf32, #tpu.memory_space<hbm>>
    tpu.wait_indirect_dma semaphore(%arg10 : memref<!tpu.dma_semaphore, #tpu.memory_space<semaphore_mem>>) src(%dma_wait3A_205 : memref<1000000x64xf32, #tpu.memory_space<hbm>>) dst(%dma_wait3A_199 : memref<50x64xf32, #tpu.memory_space<vmem>>)
    %add3A_206 = arith.constant 507 : i32
    %add3A_207 = arith.addi %mul3A_2, %add3A_206 : i32
    %dma_start3A_208 = arith.constant 3 : i32
    %dma_start3A_209 = arith.constant 0 : i32
    %dma_start3A_210 = arith.constant 0 : i32
    %dma_start3A_211 = tpu.memref_slice %arg6[%dma_start3A_208, %dma_start3A_209, %dma_start3A_210] : memref<8x50x64xf32, #tpu.memory_space<vmem>> -> memref<1x50x64xf32, #tpu.memory_space<vmem>>
    %dma_start3A_212 = tpu.memref_squeeze %dma_start3A_211 : memref<1x50x64xf32, #tpu.memory_space<vmem>> -> memref<50x64xf32, #tpu.memory_space<vmem>>
    %dma_start3A_213 = arith.constant 0 : i32
    %dma_start3A_214 = arith.constant 0 : i32
    %dma_start3A_215 = tpu.memref_slice %arg4[%add3A_207, %dma_start3A_213, %dma_start3A_214] : memref<16384x50x64xf32, #tpu.memory_space<hbm>> -> memref<1x50x64xf32, #tpu.memory_space<hbm>>
    %dma_start3A_216 = tpu.memref_squeeze %dma_start3A_215 : memref<1x50x64xf32, #tpu.memory_space<hbm>> -> memref<50x64xf32, #tpu.memory_space<hbm>>
    %dma_start3A_217 = arith.constant 0 : i32
    %dma_start3A_218 = arith.constant 0 : i32
    %dma_start3A_219 = tpu.memref_slice %arg4[%add3A_207, %dma_start3A_217, %dma_start3A_218] : memref<16384x50x64xf32, #tpu.memory_space<hbm>> -> memref<1x50x64xf32, #tpu.memory_space<hbm>>
    %dma_start3A_220 = tpu.memref_squeeze %dma_start3A_219 : memref<1x50x64xf32, #tpu.memory_space<hbm>> -> memref<50x64xf32, #tpu.memory_space<hbm>>
    %dma_start3A_221 = arith.constant 0 : i32
    %dma_start3A_222 = arith.constant 0 : i32
    %dma_start3A_223 = tpu.memref_slice %arg6[%dma_start3A_208, %dma_start3A_221, %dma_start3A_222] : memref<8x50x64xf32, #tpu.memory_space<vmem>> -> memref<1x50x64xf32, #tpu.memory_space<vmem>>
    %dma_start3A_224 = tpu.memref_squeeze %dma_start3A_223 : memref<1x50x64xf32, #tpu.memory_space<vmem>> -> memref<50x64xf32, #tpu.memory_space<vmem>>
    tpu.enqueue_dma source(%dma_start3A_224 : memref<50x64xf32, #tpu.memory_space<vmem>>) target(%dma_start3A_220 : memref<50x64xf32, #tpu.memory_space<hbm>>) target_semaphore(%arg18 : memref<!tpu.dma_semaphore, #tpu.memory_space<semaphore_mem>>)
    %dma_wait3A_225 = arith.constant 0 : i32
    %dma_wait3A_226 = arith.constant 4 : i32
    %dma_wait3A_227 = arith.constant 0 : i32
    %dma_wait3A_228 = arith.constant 0 : i32
    %dma_wait3A_229 = tpu.memref_slice %arg6[%dma_wait3A_226, %dma_wait3A_227, %dma_wait3A_228] : memref<8x50x64xf32, #tpu.memory_space<vmem>> -> memref<1x50x64xf32, #tpu.memory_space<vmem>>
    %dma_wait3A_230 = tpu.memref_squeeze %dma_wait3A_229 : memref<1x50x64xf32, #tpu.memory_space<vmem>> -> memref<50x64xf32, #tpu.memory_space<vmem>>
    %dma_wait3A_231 = arith.constant 0 : i32
    %dma_wait3A_232 = tpu.memref_slice %arg5[%dma_wait3A_225, %dma_wait3A_231] : memref<512x50xi32, #tpu.memory_space<vmem>> -> memref<1x50xi32, #tpu.memory_space<vmem>>
    %dma_wait3A_233 = tpu.memref_squeeze %dma_wait3A_232 : memref<1x50xi32, #tpu.memory_space<vmem>> -> memref<50xi32, #tpu.memory_space<vmem>>
    %dma_wait3A_234 = arith.constant 0 : i32
    %dma_wait3A_235 = arith.constant 0 : i32
    %dma_wait3A_236 = tpu.memref_slice %arg3[%dma_wait3A_234, %dma_wait3A_235] : memref<1000000x64xf32, #tpu.memory_space<hbm>> -> memref<1000000x64xf32, #tpu.memory_space<hbm>>
    tpu.wait_indirect_dma semaphore(%arg11 : memref<!tpu.dma_semaphore, #tpu.memory_space<semaphore_mem>>) src(%dma_wait3A_236 : memref<1000000x64xf32, #tpu.memory_space<hbm>>) dst(%dma_wait3A_230 : memref<50x64xf32, #tpu.memory_space<vmem>>)
    %add3A_237 = arith.constant 508 : i32
    %add3A_238 = arith.addi %mul3A_2, %add3A_237 : i32
    %dma_start3A_239 = arith.constant 4 : i32
    %dma_start3A_240 = arith.constant 0 : i32
    %dma_start3A_241 = arith.constant 0 : i32
    %dma_start3A_242 = tpu.memref_slice %arg6[%dma_start3A_239, %dma_start3A_240, %dma_start3A_241] : memref<8x50x64xf32, #tpu.memory_space<vmem>> -> memref<1x50x64xf32, #tpu.memory_space<vmem>>
    %dma_start3A_243 = tpu.memref_squeeze %dma_start3A_242 : memref<1x50x64xf32, #tpu.memory_space<vmem>> -> memref<50x64xf32, #tpu.memory_space<vmem>>
    %dma_start3A_244 = arith.constant 0 : i32
    %dma_start3A_245 = arith.constant 0 : i32
    %dma_start3A_246 = tpu.memref_slice %arg4[%add3A_238, %dma_start3A_244, %dma_start3A_245] : memref<16384x50x64xf32, #tpu.memory_space<hbm>> -> memref<1x50x64xf32, #tpu.memory_space<hbm>>
    %dma_start3A_247 = tpu.memref_squeeze %dma_start3A_246 : memref<1x50x64xf32, #tpu.memory_space<hbm>> -> memref<50x64xf32, #tpu.memory_space<hbm>>
    %dma_start3A_248 = arith.constant 0 : i32
    %dma_start3A_249 = arith.constant 0 : i32
    %dma_start3A_250 = tpu.memref_slice %arg4[%add3A_238, %dma_start3A_248, %dma_start3A_249] : memref<16384x50x64xf32, #tpu.memory_space<hbm>> -> memref<1x50x64xf32, #tpu.memory_space<hbm>>
    %dma_start3A_251 = tpu.memref_squeeze %dma_start3A_250 : memref<1x50x64xf32, #tpu.memory_space<hbm>> -> memref<50x64xf32, #tpu.memory_space<hbm>>
    %dma_start3A_252 = arith.constant 0 : i32
    %dma_start3A_253 = arith.constant 0 : i32
    %dma_start3A_254 = tpu.memref_slice %arg6[%dma_start3A_239, %dma_start3A_252, %dma_start3A_253] : memref<8x50x64xf32, #tpu.memory_space<vmem>> -> memref<1x50x64xf32, #tpu.memory_space<vmem>>
    %dma_start3A_255 = tpu.memref_squeeze %dma_start3A_254 : memref<1x50x64xf32, #tpu.memory_space<vmem>> -> memref<50x64xf32, #tpu.memory_space<vmem>>
    tpu.enqueue_dma source(%dma_start3A_255 : memref<50x64xf32, #tpu.memory_space<vmem>>) target(%dma_start3A_251 : memref<50x64xf32, #tpu.memory_space<hbm>>) target_semaphore(%arg19 : memref<!tpu.dma_semaphore, #tpu.memory_space<semaphore_mem>>)
    %dma_wait3A_256 = arith.constant 0 : i32
    %dma_wait3A_257 = arith.constant 5 : i32
    %dma_wait3A_258 = arith.constant 0 : i32
    %dma_wait3A_259 = arith.constant 0 : i32
    %dma_wait3A_260 = tpu.memref_slice %arg6[%dma_wait3A_257, %dma_wait3A_258, %dma_wait3A_259] : memref<8x50x64xf32, #tpu.memory_space<vmem>> -> memref<1x50x64xf32, #tpu.memory_space<vmem>>
    %dma_wait3A_261 = tpu.memref_squeeze %dma_wait3A_260 : memref<1x50x64xf32, #tpu.memory_space<vmem>> -> memref<50x64xf32, #tpu.memory_space<vmem>>
    %dma_wait3A_262 = arith.constant 0 : i32
    %dma_wait3A_263 = tpu.memref_slice %arg5[%dma_wait3A_256, %dma_wait3A_262] : memref<512x50xi32, #tpu.memory_space<vmem>> -> memref<1x50xi32, #tpu.memory_space<vmem>>
    %dma_wait3A_264 = tpu.memref_squeeze %dma_wait3A_263 : memref<1x50xi32, #tpu.memory_space<vmem>> -> memref<50xi32, #tpu.memory_space<vmem>>
    %dma_wait3A_265 = arith.constant 0 : i32
    %dma_wait3A_266 = arith.constant 0 : i32
    %dma_wait3A_267 = tpu.memref_slice %arg3[%dma_wait3A_265, %dma_wait3A_266] : memref<1000000x64xf32, #tpu.memory_space<hbm>> -> memref<1000000x64xf32, #tpu.memory_space<hbm>>
    tpu.wait_indirect_dma semaphore(%arg12 : memref<!tpu.dma_semaphore, #tpu.memory_space<semaphore_mem>>) src(%dma_wait3A_267 : memref<1000000x64xf32, #tpu.memory_space<hbm>>) dst(%dma_wait3A_261 : memref<50x64xf32, #tpu.memory_space<vmem>>)
    %add3A_268 = arith.constant 509 : i32
    %add3A_269 = arith.addi %mul3A_2, %add3A_268 : i32
    %dma_start3A_270 = arith.constant 5 : i32
    %dma_start3A_271 = arith.constant 0 : i32
    %dma_start3A_272 = arith.constant 0 : i32
    %dma_start3A_273 = tpu.memref_slice %arg6[%dma_start3A_270, %dma_start3A_271, %dma_start3A_272] : memref<8x50x64xf32, #tpu.memory_space<vmem>> -> memref<1x50x64xf32, #tpu.memory_space<vmem>>
    %dma_start3A_274 = tpu.memref_squeeze %dma_start3A_273 : memref<1x50x64xf32, #tpu.memory_space<vmem>> -> memref<50x64xf32, #tpu.memory_space<vmem>>
    %dma_start3A_275 = arith.constant 0 : i32
    %dma_start3A_276 = arith.constant 0 : i32
    %dma_start3A_277 = tpu.memref_slice %arg4[%add3A_269, %dma_start3A_275, %dma_start3A_276] : memref<16384x50x64xf32, #tpu.memory_space<hbm>> -> memref<1x50x64xf32, #tpu.memory_space<hbm>>
    %dma_start3A_278 = tpu.memref_squeeze %dma_start3A_277 : memref<1x50x64xf32, #tpu.memory_space<hbm>> -> memref<50x64xf32, #tpu.memory_space<hbm>>
    %dma_start3A_279 = arith.constant 0 : i32
    %dma_start3A_280 = arith.constant 0 : i32
    %dma_start3A_281 = tpu.memref_slice %arg4[%add3A_269, %dma_start3A_279, %dma_start3A_280] : memref<16384x50x64xf32, #tpu.memory_space<hbm>> -> memref<1x50x64xf32, #tpu.memory_space<hbm>>
    %dma_start3A_282 = tpu.memref_squeeze %dma_start3A_281 : memref<1x50x64xf32, #tpu.memory_space<hbm>> -> memref<50x64xf32, #tpu.memory_space<hbm>>
    %dma_start3A_283 = arith.constant 0 : i32
    %dma_start3A_284 = arith.constant 0 : i32
    %dma_start3A_285 = tpu.memref_slice %arg6[%dma_start3A_270, %dma_start3A_283, %dma_start3A_284] : memref<8x50x64xf32, #tpu.memory_space<vmem>> -> memref<1x50x64xf32, #tpu.memory_space<vmem>>
    %dma_start3A_286 = tpu.memref_squeeze %dma_start3A_285 : memref<1x50x64xf32, #tpu.memory_space<vmem>> -> memref<50x64xf32, #tpu.memory_space<vmem>>
    tpu.enqueue_dma source(%dma_start3A_286 : memref<50x64xf32, #tpu.memory_space<vmem>>) target(%dma_start3A_282 : memref<50x64xf32, #tpu.memory_space<hbm>>) target_semaphore(%arg20 : memref<!tpu.dma_semaphore, #tpu.memory_space<semaphore_mem>>)
    %dma_wait3A_287 = arith.constant 0 : i32
    %dma_wait3A_288 = arith.constant 6 : i32
    %dma_wait3A_289 = arith.constant 0 : i32
    %dma_wait3A_290 = arith.constant 0 : i32
    %dma_wait3A_291 = tpu.memref_slice %arg6[%dma_wait3A_288, %dma_wait3A_289, %dma_wait3A_290] : memref<8x50x64xf32, #tpu.memory_space<vmem>> -> memref<1x50x64xf32, #tpu.memory_space<vmem>>
    %dma_wait3A_292 = tpu.memref_squeeze %dma_wait3A_291 : memref<1x50x64xf32, #tpu.memory_space<vmem>> -> memref<50x64xf32, #tpu.memory_space<vmem>>
    %dma_wait3A_293 = arith.constant 0 : i32
    %dma_wait3A_294 = tpu.memref_slice %arg5[%dma_wait3A_287, %dma_wait3A_293] : memref<512x50xi32, #tpu.memory_space<vmem>> -> memref<1x50xi32, #tpu.memory_space<vmem>>
    %dma_wait3A_295 = tpu.memref_squeeze %dma_wait3A_294 : memref<1x50xi32, #tpu.memory_space<vmem>> -> memref<50xi32, #tpu.memory_space<vmem>>
    %dma_wait3A_296 = arith.constant 0 : i32
    %dma_wait3A_297 = arith.constant 0 : i32
    %dma_wait3A_298 = tpu.memref_slice %arg3[%dma_wait3A_296, %dma_wait3A_297] : memref<1000000x64xf32, #tpu.memory_space<hbm>> -> memref<1000000x64xf32, #tpu.memory_space<hbm>>
    tpu.wait_indirect_dma semaphore(%arg13 : memref<!tpu.dma_semaphore, #tpu.memory_space<semaphore_mem>>) src(%dma_wait3A_298 : memref<1000000x64xf32, #tpu.memory_space<hbm>>) dst(%dma_wait3A_292 : memref<50x64xf32, #tpu.memory_space<vmem>>)
    %add3A_299 = arith.constant 510 : i32
    %add3A_300 = arith.addi %mul3A_2, %add3A_299 : i32
    %dma_start3A_301 = arith.constant 6 : i32
    %dma_start3A_302 = arith.constant 0 : i32
    %dma_start3A_303 = arith.constant 0 : i32
    %dma_start3A_304 = tpu.memref_slice %arg6[%dma_start3A_301, %dma_start3A_302, %dma_start3A_303] : memref<8x50x64xf32, #tpu.memory_space<vmem>> -> memref<1x50x64xf32, #tpu.memory_space<vmem>>
    %dma_start3A_305 = tpu.memref_squeeze %dma_start3A_304 : memref<1x50x64xf32, #tpu.memory_space<vmem>> -> memref<50x64xf32, #tpu.memory_space<vmem>>
    %dma_start3A_306 = arith.constant 0 : i32
    %dma_start3A_307 = arith.constant 0 : i32
    %dma_start3A_308 = tpu.memref_slice %arg4[%add3A_300, %dma_start3A_306, %dma_start3A_307] : memref<16384x50x64xf32, #tpu.memory_space<hbm>> -> memref<1x50x64xf32, #tpu.memory_space<hbm>>
    %dma_start3A_309 = tpu.memref_squeeze %dma_start3A_308 : memref<1x50x64xf32, #tpu.memory_space<hbm>> -> memref<50x64xf32, #tpu.memory_space<hbm>>
    %dma_start3A_310 = arith.constant 0 : i32
    %dma_start3A_311 = arith.constant 0 : i32
    %dma_start3A_312 = tpu.memref_slice %arg4[%add3A_300, %dma_start3A_310, %dma_start3A_311] : memref<16384x50x64xf32, #tpu.memory_space<hbm>> -> memref<1x50x64xf32, #tpu.memory_space<hbm>>
    %dma_start3A_313 = tpu.memref_squeeze %dma_start3A_312 : memref<1x50x64xf32, #tpu.memory_space<hbm>> -> memref<50x64xf32, #tpu.memory_space<hbm>>
    %dma_start3A_314 = arith.constant 0 : i32
    %dma_start3A_315 = arith.constant 0 : i32
    %dma_start3A_316 = tpu.memref_slice %arg6[%dma_start3A_301, %dma_start3A_314, %dma_start3A_315] : memref<8x50x64xf32, #tpu.memory_space<vmem>> -> memref<1x50x64xf32, #tpu.memory_space<vmem>>
    %dma_start3A_317 = tpu.memref_squeeze %dma_start3A_316 : memref<1x50x64xf32, #tpu.memory_space<vmem>> -> memref<50x64xf32, #tpu.memory_space<vmem>>
    tpu.enqueue_dma source(%dma_start3A_317 : memref<50x64xf32, #tpu.memory_space<vmem>>) target(%dma_start3A_313 : memref<50x64xf32, #tpu.memory_space<hbm>>) target_semaphore(%arg21 : memref<!tpu.dma_semaphore, #tpu.memory_space<semaphore_mem>>)
    %dma_wait3A_318 = arith.constant 0 : i32
    %dma_wait3A_319 = arith.constant 7 : i32
    %dma_wait3A_320 = arith.constant 0 : i32
    %dma_wait3A_321 = arith.constant 0 : i32
    %dma_wait3A_322 = tpu.memref_slice %arg6[%dma_wait3A_319, %dma_wait3A_320, %dma_wait3A_321] : memref<8x50x64xf32, #tpu.memory_space<vmem>> -> memref<1x50x64xf32, #tpu.memory_space<vmem>>
    %dma_wait3A_323 = tpu.memref_squeeze %dma_wait3A_322 : memref<1x50x64xf32, #tpu.memory_space<vmem>> -> memref<50x64xf32, #tpu.memory_space<vmem>>
    %dma_wait3A_324 = arith.constant 0 : i32
    %dma_wait3A_325 = tpu.memref_slice %arg5[%dma_wait3A_318, %dma_wait3A_324] : memref<512x50xi32, #tpu.memory_space<vmem>> -> memref<1x50xi32, #tpu.memory_space<vmem>>
    %dma_wait3A_326 = tpu.memref_squeeze %dma_wait3A_325 : memref<1x50xi32, #tpu.memory_space<vmem>> -> memref<50xi32, #tpu.memory_space<vmem>>
    %dma_wait3A_327 = arith.constant 0 : i32
    %dma_wait3A_328 = arith.constant 0 : i32
    %dma_wait3A_329 = tpu.memref_slice %arg3[%dma_wait3A_327, %dma_wait3A_328] : memref<1000000x64xf32, #tpu.memory_space<hbm>> -> memref<1000000x64xf32, #tpu.memory_space<hbm>>
    tpu.wait_indirect_dma semaphore(%arg14 : memref<!tpu.dma_semaphore, #tpu.memory_space<semaphore_mem>>) src(%dma_wait3A_329 : memref<1000000x64xf32, #tpu.memory_space<hbm>>) dst(%dma_wait3A_323 : memref<50x64xf32, #tpu.memory_space<vmem>>)
    %add3A_330 = arith.constant 511 : i32
    %add3A_331 = arith.addi %mul3A_2, %add3A_330 : i32
    %dma_start3A_332 = arith.constant 7 : i32
    %dma_start3A_333 = arith.constant 0 : i32
    %dma_start3A_334 = arith.constant 0 : i32
    %dma_start3A_335 = tpu.memref_slice %arg6[%dma_start3A_332, %dma_start3A_333, %dma_start3A_334] : memref<8x50x64xf32, #tpu.memory_space<vmem>> -> memref<1x50x64xf32, #tpu.memory_space<vmem>>
    %dma_start3A_336 = tpu.memref_squeeze %dma_start3A_335 : memref<1x50x64xf32, #tpu.memory_space<vmem>> -> memref<50x64xf32, #tpu.memory_space<vmem>>
    %dma_start3A_337 = arith.constant 0 : i32
    %dma_start3A_338 = arith.constant 0 : i32
    %dma_start3A_339 = tpu.memref_slice %arg4[%add3A_331, %dma_start3A_337, %dma_start3A_338] : memref<16384x50x64xf32, #tpu.memory_space<hbm>> -> memref<1x50x64xf32, #tpu.memory_space<hbm>>
    %dma_start3A_340 = tpu.memref_squeeze %dma_start3A_339 : memref<1x50x64xf32, #tpu.memory_space<hbm>> -> memref<50x64xf32, #tpu.memory_space<hbm>>
    %dma_start3A_341 = arith.constant 0 : i32
    %dma_start3A_342 = arith.constant 0 : i32
    %dma_start3A_343 = tpu.memref_slice %arg4[%add3A_331, %dma_start3A_341, %dma_start3A_342] : memref<16384x50x64xf32, #tpu.memory_space<hbm>> -> memref<1x50x64xf32, #tpu.memory_space<hbm>>
    %dma_start3A_344 = tpu.memref_squeeze %dma_start3A_343 : memref<1x50x64xf32, #tpu.memory_space<hbm>> -> memref<50x64xf32, #tpu.memory_space<hbm>>
    %dma_start3A_345 = arith.constant 0 : i32
    %dma_start3A_346 = arith.constant 0 : i32
    %dma_start3A_347 = tpu.memref_slice %arg6[%dma_start3A_332, %dma_start3A_345, %dma_start3A_346] : memref<8x50x64xf32, #tpu.memory_space<vmem>> -> memref<1x50x64xf32, #tpu.memory_space<vmem>>
    %dma_start3A_348 = tpu.memref_squeeze %dma_start3A_347 : memref<1x50x64xf32, #tpu.memory_space<vmem>> -> memref<50x64xf32, #tpu.memory_space<vmem>>
    tpu.enqueue_dma source(%dma_start3A_348 : memref<50x64xf32, #tpu.memory_space<vmem>>) target(%dma_start3A_344 : memref<50x64xf32, #tpu.memory_space<hbm>>) target_semaphore(%arg22 : memref<!tpu.dma_semaphore, #tpu.memory_space<semaphore_mem>>)
    %dma_wait3A_349 = arith.constant 0 : i32
    %dma_wait3A_350 = arith.constant 0 : i32
    %dma_wait3A_351 = arith.constant 0 : i32
    %dma_wait3A_352 = tpu.memref_slice %arg6[%dma_wait3A_349, %dma_wait3A_350, %dma_wait3A_351] : memref<8x50x64xf32, #tpu.memory_space<vmem>> -> memref<1x50x64xf32, #tpu.memory_space<vmem>>
    %dma_wait3A_353 = tpu.memref_squeeze %dma_wait3A_352 : memref<1x50x64xf32, #tpu.memory_space<vmem>> -> memref<50x64xf32, #tpu.memory_space<vmem>>
    %dma_wait3A_354 = arith.constant 0 : i32
    %dma_wait3A_355 = arith.constant 0 : i32
    %dma_wait3A_356 = tpu.memref_slice %arg4[%mul3A_2, %dma_wait3A_354, %dma_wait3A_355] : memref<16384x50x64xf32, #tpu.memory_space<hbm>> -> memref<1x50x64xf32, #tpu.memory_space<hbm>>
    %dma_wait3A_357 = tpu.memref_squeeze %dma_wait3A_356 : memref<1x50x64xf32, #tpu.memory_space<hbm>> -> memref<50x64xf32, #tpu.memory_space<hbm>>
    %dma_wait3A_358 = arith.constant 0 : i32
    %dma_wait3A_359 = arith.constant 0 : i32
    %dma_wait3A_360 = tpu.memref_slice %arg4[%mul3A_2, %dma_wait3A_358, %dma_wait3A_359] : memref<16384x50x64xf32, #tpu.memory_space<hbm>> -> memref<1x50x64xf32, #tpu.memory_space<hbm>>
    %dma_wait3A_361 = tpu.memref_squeeze %dma_wait3A_360 : memref<1x50x64xf32, #tpu.memory_space<hbm>> -> memref<50x64xf32, #tpu.memory_space<hbm>>
    %dma_wait3A_362 = arith.constant 0 : i32
    %dma_wait3A_363 = arith.constant 0 : i32
    %dma_wait3A_364 = tpu.memref_slice %arg6[%dma_wait3A_349, %dma_wait3A_362, %dma_wait3A_363] : memref<8x50x64xf32, #tpu.memory_space<vmem>> -> memref<1x50x64xf32, #tpu.memory_space<vmem>>
    %dma_wait3A_365 = tpu.memref_squeeze %dma_wait3A_364 : memref<1x50x64xf32, #tpu.memory_space<vmem>> -> memref<50x64xf32, #tpu.memory_space<vmem>>
    tpu.wait_dma2 semaphore(%arg15 : memref<!tpu.dma_semaphore, #tpu.memory_space<semaphore_mem>>) src(%dma_wait3A_365 : memref<50x64xf32, #tpu.memory_space<vmem>>) dst(%dma_wait3A_361 : memref<50x64xf32, #tpu.memory_space<hbm>>)
    %dma_wait3A_366 = arith.constant 1 : i32
    %dma_wait3A_367 = arith.constant 0 : i32
    %dma_wait3A_368 = arith.constant 0 : i32
    %dma_wait3A_369 = tpu.memref_slice %arg6[%dma_wait3A_366, %dma_wait3A_367, %dma_wait3A_368] : memref<8x50x64xf32, #tpu.memory_space<vmem>> -> memref<1x50x64xf32, #tpu.memory_space<vmem>>
    %dma_wait3A_370 = tpu.memref_squeeze %dma_wait3A_369 : memref<1x50x64xf32, #tpu.memory_space<vmem>> -> memref<50x64xf32, #tpu.memory_space<vmem>>
    %dma_wait3A_371 = arith.constant 0 : i32
    %dma_wait3A_372 = arith.constant 0 : i32
    %dma_wait3A_373 = tpu.memref_slice %arg4[%mul3A_2, %dma_wait3A_371, %dma_wait3A_372] : memref<16384x50x64xf32, #tpu.memory_space<hbm>> -> memref<1x50x64xf32, #tpu.memory_space<hbm>>
    %dma_wait3A_374 = tpu.memref_squeeze %dma_wait3A_373 : memref<1x50x64xf32, #tpu.memory_space<hbm>> -> memref<50x64xf32, #tpu.memory_space<hbm>>
    %dma_wait3A_375 = arith.constant 0 : i32
    %dma_wait3A_376 = arith.constant 0 : i32
    %dma_wait3A_377 = tpu.memref_slice %arg4[%mul3A_2, %dma_wait3A_375, %dma_wait3A_376] : memref<16384x50x64xf32, #tpu.memory_space<hbm>> -> memref<1x50x64xf32, #tpu.memory_space<hbm>>
    %dma_wait3A_378 = tpu.memref_squeeze %dma_wait3A_377 : memref<1x50x64xf32, #tpu.memory_space<hbm>> -> memref<50x64xf32, #tpu.memory_space<hbm>>
    %dma_wait3A_379 = arith.constant 0 : i32
    %dma_wait3A_380 = arith.constant 0 : i32
    %dma_wait3A_381 = tpu.memref_slice %arg6[%dma_wait3A_366, %dma_wait3A_379, %dma_wait3A_380] : memref<8x50x64xf32, #tpu.memory_space<vmem>> -> memref<1x50x64xf32, #tpu.memory_space<vmem>>
    %dma_wait3A_382 = tpu.memref_squeeze %dma_wait3A_381 : memref<1x50x64xf32, #tpu.memory_space<vmem>> -> memref<50x64xf32, #tpu.memory_space<vmem>>
    tpu.wait_dma2 semaphore(%arg16 : memref<!tpu.dma_semaphore, #tpu.memory_space<semaphore_mem>>) src(%dma_wait3A_382 : memref<50x64xf32, #tpu.memory_space<vmem>>) dst(%dma_wait3A_378 : memref<50x64xf32, #tpu.memory_space<hbm>>)
    %dma_wait3A_383 = arith.constant 2 : i32
    %dma_wait3A_384 = arith.constant 0 : i32
    %dma_wait3A_385 = arith.constant 0 : i32
    %dma_wait3A_386 = tpu.memref_slice %arg6[%dma_wait3A_383, %dma_wait3A_384, %dma_wait3A_385] : memref<8x50x64xf32, #tpu.memory_space<vmem>> -> memref<1x50x64xf32, #tpu.memory_space<vmem>>
    %dma_wait3A_387 = tpu.memref_squeeze %dma_wait3A_386 : memref<1x50x64xf32, #tpu.memory_space<vmem>> -> memref<50x64xf32, #tpu.memory_space<vmem>>
    %dma_wait3A_388 = arith.constant 0 : i32
    %dma_wait3A_389 = arith.constant 0 : i32
    %dma_wait3A_390 = tpu.memref_slice %arg4[%mul3A_2, %dma_wait3A_388, %dma_wait3A_389] : memref<16384x50x64xf32, #tpu.memory_space<hbm>> -> memref<1x50x64xf32, #tpu.memory_space<hbm>>
    %dma_wait3A_391 = tpu.memref_squeeze %dma_wait3A_390 : memref<1x50x64xf32, #tpu.memory_space<hbm>> -> memref<50x64xf32, #tpu.memory_space<hbm>>
    %dma_wait3A_392 = arith.constant 0 : i32
    %dma_wait3A_393 = arith.constant 0 : i32
    %dma_wait3A_394 = tpu.memref_slice %arg4[%mul3A_2, %dma_wait3A_392, %dma_wait3A_393] : memref<16384x50x64xf32, #tpu.memory_space<hbm>> -> memref<1x50x64xf32, #tpu.memory_space<hbm>>
    %dma_wait3A_395 = tpu.memref_squeeze %dma_wait3A_394 : memref<1x50x64xf32, #tpu.memory_space<hbm>> -> memref<50x64xf32, #tpu.memory_space<hbm>>
    %dma_wait3A_396 = arith.constant 0 : i32
    %dma_wait3A_397 = arith.constant 0 : i32
    %dma_wait3A_398 = tpu.memref_slice %arg6[%dma_wait3A_383, %dma_wait3A_396, %dma_wait3A_397] : memref<8x50x64xf32, #tpu.memory_space<vmem>> -> memref<1x50x64xf32, #tpu.memory_space<vmem>>
    %dma_wait3A_399 = tpu.memref_squeeze %dma_wait3A_398 : memref<1x50x64xf32, #tpu.memory_space<vmem>> -> memref<50x64xf32, #tpu.memory_space<vmem>>
    tpu.wait_dma2 semaphore(%arg17 : memref<!tpu.dma_semaphore, #tpu.memory_space<semaphore_mem>>) src(%dma_wait3A_399 : memref<50x64xf32, #tpu.memory_space<vmem>>) dst(%dma_wait3A_395 : memref<50x64xf32, #tpu.memory_space<hbm>>)
    %dma_wait3A_400 = arith.constant 3 : i32
    %dma_wait3A_401 = arith.constant 0 : i32
    %dma_wait3A_402 = arith.constant 0 : i32
    %dma_wait3A_403 = tpu.memref_slice %arg6[%dma_wait3A_400, %dma_wait3A_401, %dma_wait3A_402] : memref<8x50x64xf32, #tpu.memory_space<vmem>> -> memref<1x50x64xf32, #tpu.memory_space<vmem>>
    %dma_wait3A_404 = tpu.memref_squeeze %dma_wait3A_403 : memref<1x50x64xf32, #tpu.memory_space<vmem>> -> memref<50x64xf32, #tpu.memory_space<vmem>>
    %dma_wait3A_405 = arith.constant 0 : i32
    %dma_wait3A_406 = arith.constant 0 : i32
    %dma_wait3A_407 = tpu.memref_slice %arg4[%mul3A_2, %dma_wait3A_405, %dma_wait3A_406] : memref<16384x50x64xf32, #tpu.memory_space<hbm>> -> memref<1x50x64xf32, #tpu.memory_space<hbm>>
    %dma_wait3A_408 = tpu.memref_squeeze %dma_wait3A_407 : memref<1x50x64xf32, #tpu.memory_space<hbm>> -> memref<50x64xf32, #tpu.memory_space<hbm>>
    %dma_wait3A_409 = arith.constant 0 : i32
    %dma_wait3A_410 = arith.constant 0 : i32
    %dma_wait3A_411 = tpu.memref_slice %arg4[%mul3A_2, %dma_wait3A_409, %dma_wait3A_410] : memref<16384x50x64xf32, #tpu.memory_space<hbm>> -> memref<1x50x64xf32, #tpu.memory_space<hbm>>
    %dma_wait3A_412 = tpu.memref_squeeze %dma_wait3A_411 : memref<1x50x64xf32, #tpu.memory_space<hbm>> -> memref<50x64xf32, #tpu.memory_space<hbm>>
    %dma_wait3A_413 = arith.constant 0 : i32
    %dma_wait3A_414 = arith.constant 0 : i32
    %dma_wait3A_415 = tpu.memref_slice %arg6[%dma_wait3A_400, %dma_wait3A_413, %dma_wait3A_414] : memref<8x50x64xf32, #tpu.memory_space<vmem>> -> memref<1x50x64xf32, #tpu.memory_space<vmem>>
    %dma_wait3A_416 = tpu.memref_squeeze %dma_wait3A_415 : memref<1x50x64xf32, #tpu.memory_space<vmem>> -> memref<50x64xf32, #tpu.memory_space<vmem>>
    tpu.wait_dma2 semaphore(%arg18 : memref<!tpu.dma_semaphore, #tpu.memory_space<semaphore_mem>>) src(%dma_wait3A_416 : memref<50x64xf32, #tpu.memory_space<vmem>>) dst(%dma_wait3A_412 : memref<50x64xf32, #tpu.memory_space<hbm>>)
    %dma_wait3A_417 = arith.constant 4 : i32
    %dma_wait3A_418 = arith.constant 0 : i32
    %dma_wait3A_419 = arith.constant 0 : i32
    %dma_wait3A_420 = tpu.memref_slice %arg6[%dma_wait3A_417, %dma_wait3A_418, %dma_wait3A_419] : memref<8x50x64xf32, #tpu.memory_space<vmem>> -> memref<1x50x64xf32, #tpu.memory_space<vmem>>
    %dma_wait3A_421 = tpu.memref_squeeze %dma_wait3A_420 : memref<1x50x64xf32, #tpu.memory_space<vmem>> -> memref<50x64xf32, #tpu.memory_space<vmem>>
    %dma_wait3A_422 = arith.constant 0 : i32
    %dma_wait3A_423 = arith.constant 0 : i32
    %dma_wait3A_424 = tpu.memref_slice %arg4[%mul3A_2, %dma_wait3A_422, %dma_wait3A_423] : memref<16384x50x64xf32, #tpu.memory_space<hbm>> -> memref<1x50x64xf32, #tpu.memory_space<hbm>>
    %dma_wait3A_425 = tpu.memref_squeeze %dma_wait3A_424 : memref<1x50x64xf32, #tpu.memory_space<hbm>> -> memref<50x64xf32, #tpu.memory_space<hbm>>
    %dma_wait3A_426 = arith.constant 0 : i32
    %dma_wait3A_427 = arith.constant 0 : i32
    %dma_wait3A_428 = tpu.memref_slice %arg4[%mul3A_2, %dma_wait3A_426, %dma_wait3A_427] : memref<16384x50x64xf32, #tpu.memory_space<hbm>> -> memref<1x50x64xf32, #tpu.memory_space<hbm>>
    %dma_wait3A_429 = tpu.memref_squeeze %dma_wait3A_428 : memref<1x50x64xf32, #tpu.memory_space<hbm>> -> memref<50x64xf32, #tpu.memory_space<hbm>>
    %dma_wait3A_430 = arith.constant 0 : i32
    %dma_wait3A_431 = arith.constant 0 : i32
    %dma_wait3A_432 = tpu.memref_slice %arg6[%dma_wait3A_417, %dma_wait3A_430, %dma_wait3A_431] : memref<8x50x64xf32, #tpu.memory_space<vmem>> -> memref<1x50x64xf32, #tpu.memory_space<vmem>>
    %dma_wait3A_433 = tpu.memref_squeeze %dma_wait3A_432 : memref<1x50x64xf32, #tpu.memory_space<vmem>> -> memref<50x64xf32, #tpu.memory_space<vmem>>
    tpu.wait_dma2 semaphore(%arg19 : memref<!tpu.dma_semaphore, #tpu.memory_space<semaphore_mem>>) src(%dma_wait3A_433 : memref<50x64xf32, #tpu.memory_space<vmem>>) dst(%dma_wait3A_429 : memref<50x64xf32, #tpu.memory_space<hbm>>)
    %dma_wait3A_434 = arith.constant 5 : i32
    %dma_wait3A_435 = arith.constant 0 : i32
    %dma_wait3A_436 = arith.constant 0 : i32
    %dma_wait3A_437 = tpu.memref_slice %arg6[%dma_wait3A_434, %dma_wait3A_435, %dma_wait3A_436] : memref<8x50x64xf32, #tpu.memory_space<vmem>> -> memref<1x50x64xf32, #tpu.memory_space<vmem>>
    %dma_wait3A_438 = tpu.memref_squeeze %dma_wait3A_437 : memref<1x50x64xf32, #tpu.memory_space<vmem>> -> memref<50x64xf32, #tpu.memory_space<vmem>>
    %dma_wait3A_439 = arith.constant 0 : i32
    %dma_wait3A_440 = arith.constant 0 : i32
    %dma_wait3A_441 = tpu.memref_slice %arg4[%mul3A_2, %dma_wait3A_439, %dma_wait3A_440] : memref<16384x50x64xf32, #tpu.memory_space<hbm>> -> memref<1x50x64xf32, #tpu.memory_space<hbm>>
    %dma_wait3A_442 = tpu.memref_squeeze %dma_wait3A_441 : memref<1x50x64xf32, #tpu.memory_space<hbm>> -> memref<50x64xf32, #tpu.memory_space<hbm>>
    %dma_wait3A_443 = arith.constant 0 : i32
    %dma_wait3A_444 = arith.constant 0 : i32
    %dma_wait3A_445 = tpu.memref_slice %arg4[%mul3A_2, %dma_wait3A_443, %dma_wait3A_444] : memref<16384x50x64xf32, #tpu.memory_space<hbm>> -> memref<1x50x64xf32, #tpu.memory_space<hbm>>
    %dma_wait3A_446 = tpu.memref_squeeze %dma_wait3A_445 : memref<1x50x64xf32, #tpu.memory_space<hbm>> -> memref<50x64xf32, #tpu.memory_space<hbm>>
    %dma_wait3A_447 = arith.constant 0 : i32
    %dma_wait3A_448 = arith.constant 0 : i32
    %dma_wait3A_449 = tpu.memref_slice %arg6[%dma_wait3A_434, %dma_wait3A_447, %dma_wait3A_448] : memref<8x50x64xf32, #tpu.memory_space<vmem>> -> memref<1x50x64xf32, #tpu.memory_space<vmem>>
    %dma_wait3A_450 = tpu.memref_squeeze %dma_wait3A_449 : memref<1x50x64xf32, #tpu.memory_space<vmem>> -> memref<50x64xf32, #tpu.memory_space<vmem>>
    tpu.wait_dma2 semaphore(%arg20 : memref<!tpu.dma_semaphore, #tpu.memory_space<semaphore_mem>>) src(%dma_wait3A_450 : memref<50x64xf32, #tpu.memory_space<vmem>>) dst(%dma_wait3A_446 : memref<50x64xf32, #tpu.memory_space<hbm>>)
    %dma_wait3A_451 = arith.constant 6 : i32
    %dma_wait3A_452 = arith.constant 0 : i32
    %dma_wait3A_453 = arith.constant 0 : i32
    %dma_wait3A_454 = tpu.memref_slice %arg6[%dma_wait3A_451, %dma_wait3A_452, %dma_wait3A_453] : memref<8x50x64xf32, #tpu.memory_space<vmem>> -> memref<1x50x64xf32, #tpu.memory_space<vmem>>
    %dma_wait3A_455 = tpu.memref_squeeze %dma_wait3A_454 : memref<1x50x64xf32, #tpu.memory_space<vmem>> -> memref<50x64xf32, #tpu.memory_space<vmem>>
    %dma_wait3A_456 = arith.constant 0 : i32
    %dma_wait3A_457 = arith.constant 0 : i32
    %dma_wait3A_458 = tpu.memref_slice %arg4[%mul3A_2, %dma_wait3A_456, %dma_wait3A_457] : memref<16384x50x64xf32, #tpu.memory_space<hbm>> -> memref<1x50x64xf32, #tpu.memory_space<hbm>>
    %dma_wait3A_459 = tpu.memref_squeeze %dma_wait3A_458 : memref<1x50x64xf32, #tpu.memory_space<hbm>> -> memref<50x64xf32, #tpu.memory_space<hbm>>
    %dma_wait3A_460 = arith.constant 0 : i32
    %dma_wait3A_461 = arith.constant 0 : i32
    %dma_wait3A_462 = tpu.memref_slice %arg4[%mul3A_2, %dma_wait3A_460, %dma_wait3A_461] : memref<16384x50x64xf32, #tpu.memory_space<hbm>> -> memref<1x50x64xf32, #tpu.memory_space<hbm>>
    %dma_wait3A_463 = tpu.memref_squeeze %dma_wait3A_462 : memref<1x50x64xf32, #tpu.memory_space<hbm>> -> memref<50x64xf32, #tpu.memory_space<hbm>>
    %dma_wait3A_464 = arith.constant 0 : i32
    %dma_wait3A_465 = arith.constant 0 : i32
    %dma_wait3A_466 = tpu.memref_slice %arg6[%dma_wait3A_451, %dma_wait3A_464, %dma_wait3A_465] : memref<8x50x64xf32, #tpu.memory_space<vmem>> -> memref<1x50x64xf32, #tpu.memory_space<vmem>>
    %dma_wait3A_467 = tpu.memref_squeeze %dma_wait3A_466 : memref<1x50x64xf32, #tpu.memory_space<vmem>> -> memref<50x64xf32, #tpu.memory_space<vmem>>
    tpu.wait_dma2 semaphore(%arg21 : memref<!tpu.dma_semaphore, #tpu.memory_space<semaphore_mem>>) src(%dma_wait3A_467 : memref<50x64xf32, #tpu.memory_space<vmem>>) dst(%dma_wait3A_463 : memref<50x64xf32, #tpu.memory_space<hbm>>)
    %dma_wait3A_468 = arith.constant 7 : i32
    %dma_wait3A_469 = arith.constant 0 : i32
    %dma_wait3A_470 = arith.constant 0 : i32
    %dma_wait3A_471 = tpu.memref_slice %arg6[%dma_wait3A_468, %dma_wait3A_469, %dma_wait3A_470] : memref<8x50x64xf32, #tpu.memory_space<vmem>> -> memref<1x50x64xf32, #tpu.memory_space<vmem>>
    %dma_wait3A_472 = tpu.memref_squeeze %dma_wait3A_471 : memref<1x50x64xf32, #tpu.memory_space<vmem>> -> memref<50x64xf32, #tpu.memory_space<vmem>>
    %dma_wait3A_473 = arith.constant 0 : i32
    %dma_wait3A_474 = arith.constant 0 : i32
    %dma_wait3A_475 = tpu.memref_slice %arg4[%mul3A_2, %dma_wait3A_473, %dma_wait3A_474] : memref<16384x50x64xf32, #tpu.memory_space<hbm>> -> memref<1x50x64xf32, #tpu.memory_space<hbm>>
    %dma_wait3A_476 = tpu.memref_squeeze %dma_wait3A_475 : memref<1x50x64xf32, #tpu.memory_space<hbm>> -> memref<50x64xf32, #tpu.memory_space<hbm>>
    %dma_wait3A_477 = arith.constant 0 : i32
    %dma_wait3A_478 = arith.constant 0 : i32
    %dma_wait3A_479 = tpu.memref_slice %arg4[%mul3A_2, %dma_wait3A_477, %dma_wait3A_478] : memref<16384x50x64xf32, #tpu.memory_space<hbm>> -> memref<1x50x64xf32, #tpu.memory_space<hbm>>
    %dma_wait3A_480 = tpu.memref_squeeze %dma_wait3A_479 : memref<1x50x64xf32, #tpu.memory_space<hbm>> -> memref<50x64xf32, #tpu.memory_space<hbm>>
    %dma_wait3A_481 = arith.constant 0 : i32
    %dma_wait3A_482 = arith.constant 0 : i32
    %dma_wait3A_483 = tpu.memref_slice %arg6[%dma_wait3A_468, %dma_wait3A_481, %dma_wait3A_482] : memref<8x50x64xf32, #tpu.memory_space<vmem>> -> memref<1x50x64xf32, #tpu.memory_space<vmem>>
    %dma_wait3A_484 = tpu.memref_squeeze %dma_wait3A_483 : memref<1x50x64xf32, #tpu.memory_space<vmem>> -> memref<50x64xf32, #tpu.memory_space<vmem>>
    tpu.wait_dma2 semaphore(%arg22 : memref<!tpu.dma_semaphore, #tpu.memory_space<semaphore_mem>>) src(%dma_wait3A_484 : memref<50x64xf32, #tpu.memory_space<vmem>>) dst(%dma_wait3A_480 : memref<50x64xf32, #tpu.memory_space<hbm>>)
    return
  }
}

</mosaic_0001>

<sc_bundles>
// kernel: kernel.3.cloned.1.call-start
scs
__scs_entry_jumppad:
0x0: {  	(pc) =	sbr.rel $0x88, $3  }
0x1: {  	(tag) =	ssettag $0x0;
	lr =	simm.s32 $0x1  }
0x2: {  	[smem:$0x3F9F] =	sst lr;
	_ =	strace $0xD0000000  }
0x3: {  	_ = 	snop  }
0x4: {  	_ = 	snop  }
0x5: {  	_ = 	snop  }
0x6: {  	_ = 	snop  }
0x7: {  	_ = 	snop  }
__scs_overlays_trampoline_lowered:
0x8: {  	[smem:$0x3FAE] =	sst s0  }
0x9: {  	[smem:$0x3FAF] =	sst s1  }
0xa: {  	[smem:$0x3FB0] =	sst s2  }
0xb: {  	[smem:$0x3FB1] =	sst s3  }
0xc: {  	[smem:$0x3FB2] =	sst s4  }
0xd: {  	[smem:$0x3FB3] =	sst s5  }
0xe: {  	[smem:$0x3FB4] =	sst s6  }
0xf: {  	[smem:$0x3FB5] =	sst s7  }
0x10: {  	[smem:$0x3FB6] =	sst s8  }
0x11: {  	[smem:$0x3FB7] =	sst s9;
	s0 =	simm.s32 @!p0 $0x0  }
0x12: {  	s1 =	sld [smem:$0x3F9D];
	s0 =	simm.s32 @p0 $0x1  }
0x13: {  	[smem:$0x3FB8] =	sst s0;
	s0 =	simm.s32 @!p1 $0x0  }
0x14: {  	s2 =	sld [smem:$0x3F9C];
	s0 =	simm.s32 @p1 $0x1  }
0x15: {  	[smem:$0x3FB9] =	sst s0;
	s0 =	simm.s32 @!p2 $0x0  }
0x16: {  	s3 =	sld [smem:$0x3FDB];
	s0 =	simm.s32 @p2 $0x1  }
0x17: {  	s4 =	simm.s32 $0x1BF5;
	[smem:$0x3FBB] =	sst s0  }
0x18: {  	s0 =	sld [smem:$0x3F9E];
	_ =	swait.ge [sflag:s4], $0x0  }
0x19: {  	s7 =	sld [smem:$0x3F9F]  }
0x1a: {  	s8 =	sadd.s32 $0xFFFFE003, lr  }
0x1b: {  	s9 =	sadd.s32 $0xFFFFFEF7, lr;
	s5 =	simm.s32 $0xFFFFFFFF;
	p2 =	slt.u32 s8, $0xFFFFF086  }
0x1c: {  	p1 =	slt.u32 s9, $0xF7A;
	s5 =	simm.s32 @!p2 $0x0  }
0x1d: {  	s5 =	simm.s32 @p1 $0x1;
	p0 =	seq.s32 s7, s2  }
0x1e: {  	s7 =	smul.u32 @!p0 $0xF7A, s2;
	p2 =	seq.s32 @!p0 s5, $0x0  }
0x1f: {  	s9 =	smul.u32 $0xF7A, s1;
	s8 =	simm.s32 @!p0 $0x1BF5;
	p2 =	por !p2, p0  }
0x20: {  	[sflag:s8] =	ssyncset.s32 @!p0 $0xFFFFF086;
	s6 =	sadd.s32 @!p0 s3, s7;
	s7 =	simm.s32 @!p0 $0x108  }
0x21: {  	s3 =	sadd.s32 s3, s9;
	s6 =	sadd.s32 @!p0 $0x88, s6;
	s7 =	simm.s32 @p2 $0x1082  }
0x22: {  	[simem:s7], [sflag:s8] =	dma.local @!p0 [hbm:s6], $0xF7A  }
0x23: {  	s9 =	sor.u32 $0xD0000000, s2;
	s6 =	simm.s32 $0x108;
	_ =	swait.ge @!p0 [sflag:s8], $0x0  }
0x24: {  	s3 =	sadd.s32 $0x88, s3;
	s6 =	simm.s32 @!p1 $0x1082;
	[sflag:s4] =	ssyncset.s32 $0xFFFFF086  }
0x25: {  	[simem:s6], [sflag:s4] =	dma.local [hbm:s3], $0xF7A  }
0x26: {  	[smem:$0x3F9F] =	sst s1;
	(tag) =	ssettag s2;
	_ =	strace s9  }
0x27: {  	s1 =	sld [smem:$0x3FAF]  }
0x28: {  	s2 =	sld [smem:$0x3FB0]  }
0x29: {  	s4 =	sld [smem:$0x3FB2]  }
0x2a: {  	p0 =	seq.s32 s5, $0x0;
	s5 =	sld [smem:$0x3FB3]  }
0x2b: {  	s6 =	sld [smem:$0x3FB4]  }
0x2c: {  	s7 =	sld [smem:$0x3FB5]  }
0x2d: {  	s3 =	simm.s32 $0x108;
	s8 =	sld [smem:$0x3FB6]  }
0x2e: {  	s3 =	simm.s32 @!p0 $0x1082;
	s9 =	sld [smem:$0x3FB7]  }
0x2f: {  	lr =	sadd.s32 s0, s3;
	s0 =	sld [smem:$0x3FAE]  }
0x30: {  	s3 =	sld [smem:$0x3FB1]  }
0x31: {  	[smem:$0x3FBA] =	sst s10  }
0x32: {  	s10 =	sld [smem:$0x3FB8];
	_ =	sdelay $0x3  }
0x33: {  	p0 =	seq.s32 s10, $0x1;
	s10 =	sld [smem:$0x3FBA];
	_ =	sdelay $0x3  }
0x34: {  	[smem:$0x3FBA] =	sst s10  }
0x35: {  	s10 =	sld [smem:$0x3FB9];
	_ =	sdelay $0x3  }
0x36: {  	p1 =	seq.s32 s10, $0x1;
	s10 =	sld [smem:$0x3FBA];
	_ =	sdelay $0x3  }
0x37: {  	[smem:$0x3FBA] =	sst s10  }
0x38: {  	s10 =	sld [smem:$0x3FBB]  }
0x39: {  	_ = 	snop;
	(pc) =	sbr.ind lr, $3  }
0x3a: {  	_ = 	snop  }
0x3b: {  	_ = 	snop  }
0x3c: {  	p2 =	seq.s32 s10, $0x1;
	s10 =	sld [smem:$0x3FBA]  }
0x3d: {  	_ =	shalt  }
0x3e: {  	_ =	shalt  }
0x3f: {  	_ =	shalt  }
0x40: {  	_ =	shalt  }
0x41: {  	_ =	shalt  }
0x42: {  	_ =	shalt  }
0x43: {  	_ =	shalt  }
0x44: {  	_ =	shalt  }
0x45: {  	_ =	shalt  }
0x46: {  	_ =	shalt  }
0x47: {  	_ =	shalt  }
0x48: {  	_ =	shalt  }
0x49: {  	_ =	shalt  }
0x4a: {  	_ =	shalt  }
0x4b: {  	_ =	shalt  }
0x4c: {  	_ =	shalt  }
0x4d: {  	_ =	shalt  }
0x4e: {  	_ =	shalt  }
0x4f: {  	_ =	shalt  }
0x50: {  	_ =	shalt  }
0x51: {  	_ =	shalt  }
0x52: {  	_ =	shalt  }
0x53: {  	_ =	shalt  }
0x54: {  	_ =	shalt  }
0x55: {  	_ =	shalt  }
0x56: {  	_ =	shalt  }
0x57: {  	_ =	shalt  }
0x58: {  	_ =	shalt  }
0x59: {  	_ =	shalt  }
0x5a: {  	_ =	shalt  }
0x5b: {  	_ =	shalt  }
0x5c: {  	_ =	shalt  }
0x5d: {  	_ =	shalt  }
0x5e: {  	_ =	shalt  }
0x5f: {  	_ =	shalt  }
0x60: {  	_ =	shalt  }
0x61: {  	_ =	shalt  }
0x62: {  	_ =	shalt  }
0x63: {  	_ =	shalt  }
0x64: {  	_ =	shalt  }
0x65: {  	_ =	shalt  }
0x66: {  	_ =	shalt  }
0x67: {  	_ =	shalt  }
0x68: {  	_ =	shalt  }
0x69: {  	_ =	shalt  }
0x6a: {  	_ =	shalt  }
0x6b: {  	_ =	shalt  }
0x6c: {  	_ =	shalt  }
0x6d: {  	_ =	shalt  }
0x6e: {  	_ =	shalt  }
0x6f: {  	_ =	shalt  }
0x70: {  	_ =	shalt  }
0x71: {  	_ =	shalt  }
0x72: {  	_ =	shalt  }
0x73: {  	_ =	shalt  }
0x74: {  	_ =	shalt  }
0x75: {  	_ =	shalt  }
0x76: {  	_ =	shalt  }
0x77: {  	_ =	shalt  }
0x78: {  	_ =	shalt  }
0x79: {  	_ =	shalt  }
0x7a: {  	_ =	shalt  }
0x7b: {  	_ =	shalt  }
0x7c: {  	_ =	shalt  }
0x7d: {  	_ =	shalt  }
0x7e: {  	_ =	shalt  }
0x7f: {  	_ =	shalt  }
0x80: {  	_ =	shalt  }
0x81: {  	_ =	shalt  }
0x82: {  	_ =	shalt  }
0x83: {  	_ =	shalt  }
0x84: {  	_ =	shalt  }
0x85: {  	_ =	shalt  }
0x86: {  	_ =	shalt  }
0x87: {  	_ =	shalt  }
.Lfunc_end0:
.L_simem_size_0:
called_computation.1_lowered:
.L_overlay_start_0:
0x88: {  	s2 =	sld [smem:$0x3FD9]  }
0x89: {  	s3 =	sld [smem:$0x3FFE];
	_ =	sdelay $0x1  }
0x8a: {  	s1 =	srdreg.scid  }
0x8b: {  	s0 =	sand.u32 $0x1, s1  }
0x8c: {  	s17 =	sshll.u32 s0, $0xA;
	s2 =	sadd.s32 s3, s2  }
0x8d: {  	s2 =	sadd.s32 s2, s17  }
0x8e: {  	[smem:$0x3FC6] =	sst s2  }
0x8f: {  	_ = 	snop  }
0x90: {  	s2 =	sld [smem:$0x3FD0];
	(tm) =	ssettm $0x1  }
0x91: {  	s18 =	sld [smem:$0x3FFB];
	_ =	sdelay $0x3  }
0x92: {  	_ =	strace s18  }
0x93: {  	s3 =	sld [smem:$0x3FFC];
	_ =	sdelay $0x3  }
0x94: {  	_ =	strace s3  }
0x95: {  	s3 =	sld [smem:$0x3FFD];
	_ =	sdelay $0x3  }
0x96: {  	_ =	strace s3  }
0x97: {  	_ =	strace $0x8FFFFFFF  }
0x98: {  	s19 =	sld [smem:$0x3FDB];
	_ =	sdelay $0x1  }
0x99: {  	s4 =	simm.s32 $_scs_section_size  }
0x9a: {  	s5 =	simm.s32 $_size__tile_overlayer_lowered;
	s6 =	simm.s32 $_tile_overlayer_lowered  }
0x9b: {  	s22 =	simm.s32 $0x1BFF;
	s21 =	sshll.u32 s6, $0x1;
	s3 =	sadd.s32 s4, s19  }
0x9c: {  	s7 =	simm.s32 $0x0;
	s20 =	sshll.u32 s5, $0x1;
	s5 =	sadd.s32 s21, s3  }
0x9d: {  	[timem:s7], [sflag:s22] =	dma.local [hbm:s5], s20  }
0x9e: {  	_ =	swait.ge [sflag:s22], s20  }
0x9f: {  	s4 =	ssub.s32 $0x0, s20;
	[sflag:s22] =	ssyncset.done $0x0  }
0xa0: {  	[sflag:s22] =	ssyncadd.s32 s4;
	_ =	sdelay $0x1  }
0xa1: {  	s23 =	simm.s32 $0x1B8B  }
0xa2: {  	_ =	swait.ge [sflag:s23], $0x1  }
0xa3: {  	[sflag:s23] =	ssyncset.done $0x0  }
0xa4: {  	s25 =	simm.s32 $0x1B8E;
	s24 =	sld [smem:$0x3FFE];
	[sflag:s23] =	ssyncadd.s32 $0xFFFFFFFF  }
0xa5: {  	s26 =	simm.s32 $execute0_lowered;
	[smem:$0x3FD2] =	sst s25  }
0xa6: {  	s5 =	sshll.u32 s26, $0x1;
	_ =	strace $0x80000046;
	[dreg:$0x1] =	wrdreg $0xFFFFFFFF  }
0xa7: {  	s28 =	simm.s32 $_size_execute0_lowered;
	s3 =	sadd.s32 s3, s5;
	[dreg:$0x0] =	wrdreg $0x0  }
0xa8: {  	s5 =	sshll.u32 s28, $0x1;
	[dreg:$0x2] =	wrdreg s3  }
0xa9: {  	[dreg:$0x3] =	wrdreg s5  }
0xaa: {  	[dreg:$0x4] =	wrdreg $0xC0  }
0xab: {  	_ =	task [dreg:s7], $0x5FFFF  }
0xac: {  	[dreg:$0x1] =	wrdreg $0xFFFFFFFF  }
0xad: {  	[dreg:$0x0] =	wrdreg $0x60  }
0xae: {  	[dreg:$0x2] =	wrdreg s24  }
0xaf: {  	[dreg:$0x3] =	wrdreg s2  }
0xb0: {  	[dreg:$0x4] =	wrdreg $0x9  }
0xb1: {  	_ =	task.clear_ibuf [dreg:s7], $0x5FFFF;
	_ =	strace $0x90000046  }
0xb2: {  	s29 =	simm.s32 $0x9;
	_ =	strace $0x80000048  }
0xb3: {  	_ =	swait.ge [sflag:s29], $0x1  }
0xb4: {  	[sflag:s29] =	ssyncadd.s32 $0xFFFFFFFF  }
0xb5: {  	_ =	strace $0x90000048  }
0xb6: {  	_ =	sfence  }
0xb7: {  	s30 =	sld [smem:$0x0];
	_ =	sdelay $0x2  }
0xb8: {  	s31 =	sshll.u32 s1, $0xD;
	s1 =	sshrl.u32 s1, $0x2  }
0xb9: {  	s3 =	sand.u32 $0x4000, s31;
	s1 =	sadd.s32 s1, s30  }
0xba: {  	s0 =	sor.u32 s3, s0;
	s1 =	sshll.u32 s1, $0x11  }
0xbb: {  	s0 =	sor.u32 s1, s0  }
0xbc: {  	s0 =	sadd.s32 $0x8F2B, s0  }
0xbd: {  	[sflag:s0] =	ssyncadd.remote.s32 $0x1  }
0xbe: {  	_ =	sfence.sel $0xFFFF  }
0xbf: {  	[dreg:$0x0] =	wrdreg $0xFFFFFFFF;
	(pc) =	sbr.abs _section_cstart, $3  }
0xc0: {  	[dreg:$0x1] =	wrdreg $0xFFFFFFFF  }
0xc1: {  	_ =	task.clear_ibuf [dreg:s7], $0x2FFFF;
	_ =	strace $0x9FFFFFFF  }
0xc2: {  	(tm) =	ssettm $0x7FFFFFFF  }
0xc3: {  	_ =	shalt  }
tec
execute0_lowered:
.L_overlay_start_1:
0x0: {  	(tag) =	ssettag $0x1  }
0x1: {  	s0 =	srdreg.scid;
	s1 =	rddreg [dreg:$0x0]  }
0x2: {  	s10 =	stileid.u32;
	s4 =	rddreg [dreg:$0x1]  }
0x3: {  	s16 =	simm.s32 $0x32;
	s17 =	simm.s32 $0x7000;
	s28 =	simm.s32 $0xAE80  }
0x4: {  	s30 =	simm.s32 $0xBB00;
	s31 =	simm.s32 $0x1;
	s29 =	simm.s32 $0xB  }
0x5: {  	s11 =	simm.s32 $0xF;
	s13 =	simm.s32 $0x0;
	s0 =	sand.u32 $0x1, s0  }
0x6: {  	s2 =	sshll.u32 s10, $0xA;
	s21 =	smul.u32 $0x64000, s10;
	s3 =	sshll.u32 s0, $0x9  }
0x7: {  	s6 =	ssub.s32 $0x2, s0;
	s0 =	smul.u32 $0x32000, s0;
	s3 =	sor.u32 s3, s2  }
0x8: {  	s10 =	simm.s32 $0x8;
	s2 =	simm.s32 $0x0;
	s5 =	smul.u32 $0x7, s3  }
0x9: {  	s8 =	sshrl.u32 s6, $0x1;
	[smem:$0x7FF] =	sst s2;
	s7 =	smul.u32 $0x190, s3  }
0xa: {  	s9 =	smul.u32 $0xC80, s3;
	s3 =	sadd.s32 $0xF42E00, s1;
	s18 =	ssub.s32 s6, s8  }
0xb: {  	s8 =	simm.s32 $0x7;
	_ =	strace $0x80000047;
	s5 =	sadd.s32 s5, s1  }
0xc: {  	s19 =	sadd.s32 s4, s7;
	s20 =	sshrl.u32 s9, $0x3;
	s1 =	smax.u32 s18, $0x1  }
0xd: {  	s18 =	simm.s32 $0x2;
	s7 =	simm.s32 $0xD;
	[dreg:$0x4] =	wrdreg s19  }
0xe: {  	s9 =	simm.s32 $0xE;
	s5 =	sadd.s32 $0xA00, s5;
	[dreg:$0xc] =	wrdreg s1  }
0xf: {  	s6 =	sadd.s32 $0x190, s19;
	[dreg:$0x3] =	wrdreg s5;
	s5 =	sadd.s32 s4, s20  }
0x10: {  	s19 =	simm.s32 $0x7C80;
	[dreg:$0x5] =	wrdreg s6;
	s22 =	sadd.s32 $0x316A0, s5  }
0x11: {  	s1 =	simm.s32 $0x5;
	s23 =	sadd.s32 $0x31830, s5;
	[dreg:$0x6] =	wrdreg s22  }
0x12: {  	s4 =	sadd.s32 s21, s4;
	s24 =	sadd.s32 $0x319C0, s5;
	[dreg:$0x7] =	wrdreg s23  }
0x13: {  	s21 =	simm.s32 $0x8900;
	s25 =	sadd.s32 $0x31B50, s5;
	[dreg:$0x8] =	wrdreg s24  }
0x14: {  	s20 =	simm.s32 $0x9;
	s26 =	sadd.s32 $0x31CE0, s5;
	[dreg:$0x9] =	wrdreg s25  }
0x15: {  	s6 =	simm.s32 $0x6;
	s5 =	sadd.s32 $0x31E70, s5;
	[dreg:$0xa] =	wrdreg s26  }
0x16: {  	s0 =	sadd.s32 s0, s4;
	s4 =	simm.s32 $0xC;
	[dreg:$0xb] =	wrdreg s5  }
0x17: {  	s0 =	sadd.s32 $0x7D0, s0;
	s23 =	simm.s32 $0x9580;
	s25 =	simm.s32 $0xA200  }
0x18: {  	s22 =	simm.s32 $0x3;
	s24 =	simm.s32 $0xA;
	s26 =	simm.s32 $0x4  }
0x19: {  	s5 =	simm.s32 $0x10;
	[dreg:$0xd] =	wrdreg s0;
	s0 =	simm.s32 $0xC780  }
.LBB2_1:
0x1a: {  	[dreg:$0xe] =	wrdreg s13  }
0x1b: {  	s12 =	rddreg [dreg:$0x3];
	s13 =	simm.s32 $0x11  }
0x1c: {  	[tilespmem:s2], [sflag:$0x11] =	stream.linear.gather [hbm4b:s12+s2], $0x7000, $0x38;
	[tilespmem:$0xD400] =	vst v63  }
0x1d: {  	_ =	swait.ge [sflag:s13], $0x7000  }
0x1e: {  	[sflag:s13] =	ssyncset.done $0x0  }
0x1f: {  	[sflag:s13] =	ssyncadd.s32 $0xFFFF9000  }
0x20: {  	[tilespmem:s17], [sflag:$0x1] =	stream.indirect.gather [hbm4b:s3+s16], $0x40, s2, s16, $0xb8;
	[tilespmem:$0xD400] =	vst v63  }
0x21: {  	s14 =	simm.s32 $0x38  }
0x22: {  	[tilespmem:s19], [sflag:$0x2] =	stream.indirect.gather [hbm4b:s3+s16], $0x40, s14, s16, $0xb8;
	[tilespmem:$0xD400] =	vst v63  }
0x23: {  	s15 =	simm.s32 $0x70  }
0x24: {  	[tilespmem:s21], [sflag:$0x3] =	stream.indirect.gather [hbm4b:s3+s16], $0x40, s15, s16, $0xb8;
	[tilespmem:$0xD400] =	vst v63  }
0x25: {  	s13 =	simm.s32 $0xA8  }
0x26: {  	[tilespmem:s23], [sflag:$0x4] =	stream.indirect.gather [hbm4b:s3+s16], $0x40, s13, s16, $0xb8;
	[tilespmem:$0xD400] =	vst v63  }
0x27: {  	s14 =	simm.s32 $0xE0  }
0x28: {  	[tilespmem:s25], [sflag:$0x5] =	stream.indirect.gather [hbm4b:s3+s16], $0x40, s14, s16, $0xb8;
	[tilespmem:$0xD400] =	vst v63  }
0x29: {  	s15 =	simm.s32 $0x118  }
0x2a: {  	[tilespmem:s28], [sflag:$0x6] =	stream.indirect.gather [hbm4b:s3+s16], $0x40, s15, s16, $0xb8;
	[tilespmem:$0xD400] =	vst v63  }
0x2b: {  	s13 =	simm.s32 $0x150  }
0x2c: {  	[tilespmem:s30], [sflag:$0x7] =	stream.indirect.gather [hbm4b:s3+s16], $0x40, s13, s16, $0xb8;
	[tilespmem:$0xD400] =	vst v63  }
0x2d: {  	_ =	swait.ge [sflag:s31], $0xC80  }
0x2e: {  	[sflag:s31] =	ssyncset.done $0x0  }
0x2f: {  	s14 =	rddreg [dreg:$0x4];
	[sflag:s31] =	ssyncadd.s32 $0xFFFFF380  }
0x30: {  	[hbm4b:s14+s2] =	stream.linear.scatter [tilespmem:s17], [sflag:$0x9], $0xC80, $0x38;
	[tilespmem:$0xD400] =	vst v63  }
0x31: {  	s15 =	simm.s32 $0x188  }
0x32: {  	[tilespmem:s0], [sflag:$0x8] =	stream.indirect.gather [hbm4b:s3+s16], $0x40, s15, s16, $0xb8;
	[tilespmem:$0xD400] =	vst v63  }
0x33: {  	_ =	swait.ge [sflag:s18], $0xC80  }
0x34: {  	[sflag:s18] =	ssyncset.done $0x0  }
0x35: {  	s13 =	rddreg [dreg:$0x5];
	[sflag:s18] =	ssyncadd.s32 $0xFFFFF380  }
0x36: {  	[hbm4b:s13+s2] =	stream.linear.scatter [tilespmem:s19], [sflag:$0xA], $0xC80, $0x38;
	[tilespmem:$0xD400] =	vst v63  }
0x37: {  	_ =	swait.ge [sflag:s20], $0xC80  }
0x38: {  	[sflag:s20] =	ssyncset.done $0x0  }
0x39: {  	s14 =	simm.s32 $0x1C0;
	[sflag:s20] =	ssyncadd.s32 $0xFFFFF380  }
0x3a: {  	[tilespmem:s17], [sflag:$0x1] =	stream.indirect.gather [hbm4b:s3+s16], $0x40, s14, s16, $0xb8;
	[tilespmem:$0xD400] =	vst v63  }
0x3b: {  	_ =	swait.ge [sflag:s22], $0xC80  }
0x3c: {  	[sflag:s22] =	ssyncset.done $0x0;
	s14 =	rddreg [dreg:$0xd]  }
0x3d: {  	[sflag:s22] =	ssyncadd.s32 $0xFFFFF380;
	s15 =	sadd.s32 $0xFFFFFB50, s14  }
0x3e: {  	[hbm4b:s15+s2] =	stream.linear.scatter [tilespmem:s21], [sflag:$0xB], $0xC80, $0x38;
	[tilespmem:$0xD400] =	vst v63  }
0x3f: {  	_ =	swait.ge [sflag:s24], $0xC80  }
0x40: {  	[sflag:s24] =	ssyncset.done $0x0  }
0x41: {  	s13 =	simm.s32 $0x1F8;
	[sflag:s24] =	ssyncadd.s32 $0xFFFFF380  }
0x42: {  	[tilespmem:s19], [sflag:$0x2] =	stream.indirect.gather [hbm4b:s3+s16], $0x40, s13, s16, $0xb8;
	[tilespmem:$0xD400] =	vst v63  }
0x43: {  	_ =	swait.ge [sflag:s26], $0xC80  }
0x44: {  	[sflag:s26] =	ssyncset.done $0x0  }
0x45: {  	s15 =	sadd.s32 $0xFFFFFCE0, s14;
	[sflag:s26] =	ssyncadd.s32 $0xFFFFF380  }
0x46: {  	[hbm4b:s15+s2] =	stream.linear.scatter [tilespmem:s23], [sflag:$0xC], $0xC80, $0x38;
	[tilespmem:$0xD400] =	vst v63  }
0x47: {  	_ =	swait.ge [sflag:s29], $0xC80  }
0x48: {  	[sflag:s29] =	ssyncset.done $0x0  }
0x49: {  	s13 =	simm.s32 $0x230;
	[sflag:s29] =	ssyncadd.s32 $0xFFFFF380  }
0x4a: {  	[tilespmem:s21], [sflag:$0x3] =	stream.indirect.gather [hbm4b:s3+s16], $0x40, s13, s16, $0xb8;
	[tilespmem:$0xD400] =	vst v63  }
0x4b: {  	_ =	swait.ge [sflag:s1], $0xC80  }
0x4c: {  	[sflag:s1] =	ssyncset.done $0x0  }
0x4d: {  	s15 =	sadd.s32 $0xFFFFFE70, s14;
	[sflag:s1] =	ssyncadd.s32 $0xFFFFF380  }
0x4e: {  	[hbm4b:s15+s2] =	stream.linear.scatter [tilespmem:s25], [sflag:$0xD], $0xC80, $0x38;
	[tilespmem:$0xD400] =	vst v63  }
0x4f: {  	_ =	swait.ge [sflag:s4], $0xC80  }
0x50: {  	[sflag:s4] =	ssyncset.done $0x0  }
0x51: {  	s13 =	simm.s32 $0x268;
	[sflag:s4] =	ssyncadd.s32 $0xFFFFF380  }
0x52: {  	[tilespmem:s23], [sflag:$0x4] =	stream.indirect.gather [hbm4b:s3+s16], $0x40, s13, s16, $0xb8;
	[tilespmem:$0xD400] =	vst v63  }
0x53: {  	_ =	swait.ge [sflag:s6], $0xC80  }
0x54: {  	[sflag:s6] =	ssyncset.done $0x0  }
0x55: {  	[sflag:s6] =	ssyncadd.s32 $0xFFFFF380  }
0x56: {  	[hbm4b:s14+s2] =	stream.linear.scatter [tilespmem:s28], [sflag:$0xE], $0xC80, $0x38;
	[tilespmem:$0xD400] =	vst v63  }
0x57: {  	_ =	swait.ge [sflag:s7], $0xC80  }
0x58: {  	[sflag:s7] =	ssyncset.done $0x0  }
0x59: {  	s15 =	simm.s32 $0x2A0;
	[sflag:s7] =	ssyncadd.s32 $0xFFFFF380  }
0x5a: {  	[tilespmem:s25], [sflag:$0x5] =	stream.indirect.gather [hbm4b:s3+s16], $0x40, s15, s16, $0xb8;
	[tilespmem:$0xD400] =	vst v63  }
0x5b: {  	_ =	swait.ge [sflag:s8], $0xC80  }
0x5c: {  	[sflag:s8] =	ssyncset.done $0x0  }
0x5d: {  	s13 =	sadd.s32 $0x190, s14;
	[sflag:s8] =	ssyncadd.s32 $0xFFFFF380  }
0x5e: {  	[hbm4b:s13+s2] =	stream.linear.scatter [tilespmem:s30], [sflag:$0xF], $0xC80, $0x38;
	[tilespmem:$0xD400] =	vst v63  }
0x5f: {  	_ =	swait.ge [sflag:s9], $0xC80  }
0x60: {  	[sflag:s9] =	ssyncset.done $0x0  }
0x61: {  	s15 =	simm.s32 $0x2D8;
	[sflag:s9] =	ssyncadd.s32 $0xFFFFF380  }
0x62: {  	[tilespmem:s28], [sflag:$0x6] =	stream.indirect.gather [hbm4b:s3+s16], $0x40, s15, s16, $0xb8;
	[tilespmem:$0xD400] =	vst v63  }
0x63: {  	_ =	swait.ge [sflag:s10], $0xC80  }
0x64: {  	[sflag:s10] =	ssyncset.done $0x0  }
0x65: {  	s13 =	sadd.s32 $0x320, s14;
	[sflag:s10] =	ssyncadd.s32 $0xFFFFF380  }
0x66: {  	[hbm4b:s13+s2] =	stream.linear.scatter [tilespmem:s0], [sflag:$0x10], $0xC80, $0x38;
	[tilespmem:$0xD400] =	vst v63  }
0x67: {  	_ =	swait.ge [sflag:s11], $0xC80  }
0x68: {  	[sflag:s11] =	ssyncset.done $0x0  }
0x69: {  	s15 =	simm.s32 $0x310;
	[sflag:s11] =	ssyncadd.s32 $0xFFFFF380  }
0x6a: {  	[tilespmem:s30], [sflag:$0x7] =	stream.indirect.gather [hbm4b:s3+s16], $0x40, s15, s16, $0xb8;
	[tilespmem:$0xD400] =	vst v63  }
0x6b: {  	_ =	swait.ge [sflag:s31], $0xC80  }
0x6c: {  	[sflag:s31] =	ssyncset.done $0x0  }
0x6d: {  	s13 =	sadd.s32 $0x4B0, s14;
	[sflag:s31] =	ssyncadd.s32 $0xFFFFF380  }
0x6e: {  	[hbm4b:s13+s2] =	stream.linear.scatter [tilespmem:s17], [sflag:$0x9], $0xC80, $0x38;
	[tilespmem:$0xD400] =	vst v63  }
0x6f: {  	_ =	swait.ge [sflag:s5], $0xC80  }
0x70: {  	[sflag:s5] =	ssyncset.done $0x0  }
0x71: {  	s15 =	simm.s32 $0x348;
	[sflag:s5] =	ssyncadd.s32 $0xFFFFF380  }
0x72: {  	[tilespmem:s0], [sflag:$0x8] =	stream.indirect.gather [hbm4b:s3+s16], $0x40, s15, s16, $0xb8;
	[tilespmem:$0xD400] =	vst v63  }
0x73: {  	_ =	swait.ge [sflag:s18], $0xC80  }
0x74: {  	s12 =	sadd.s32 $0x640, s14;
	[sflag:s18] =	ssyncset.done $0x0  }
0x75: {  	s13 =	simm.s32 $0x700;
	s15 =	sadd.s32 $0xC80, s14;
	[sflag:s18] =	ssyncadd.s32 $0xFFFFF380  }
.LBB2_2:
0x76: {  	[hbm4b:s12+s2] =	stream.linear.scatter [tilespmem:s19], [sflag:$0xA], $0xC80, $0x38;
	[tilespmem:$0xD400] =	vst v63  }
0x77: {  	s12 =	smov.u32 s13  }
0x78: {  	p0 =	sne.s32 s13, $0x1B200;
	s13 =	sadd.s32 $0x700, s13;
	_ =	swait.ge [sflag:s20], $0xC80  }
0x79: {  	s12 =	sshra.s32 s12, $0x2;
	[sflag:s20] =	ssyncset.done $0x0  }
0x7a: {  	s14 =	sadd.s32 $0x1C0, s12;
	[sflag:s20] =	ssyncadd.s32 $0xFFFFF380  }
0x7b: {  	[tilespmem:s17], [sflag:$0x1] =	stream.indirect.gather [hbm4b:s3+s16], $0x40, s14, s16, $0xb8;
	[tilespmem:$0xD400] =	vst v63  }
0x7c: {  	_ =	swait.ge [sflag:s22], $0xC80  }
0x7d: {  	[sflag:s22] =	ssyncset.done $0x0  }
0x7e: {  	s14 =	sadd.s32 $0xFFFFFB50, s15;
	[sflag:s22] =	ssyncadd.s32 $0xFFFFF380  }
0x7f: {  	[hbm4b:s14+s2] =	stream.linear.scatter [tilespmem:s21], [sflag:$0xB], $0xC80, $0x38;
	[tilespmem:$0xD400] =	vst v63  }
0x80: {  	_ =	swait.ge [sflag:s24], $0xC80  }
0x81: {  	[sflag:s24] =	ssyncset.done $0x0  }
0x82: {  	s14 =	sadd.s32 $0x1F8, s12;
	[sflag:s24] =	ssyncadd.s32 $0xFFFFF380  }
0x83: {  	[tilespmem:s19], [sflag:$0x2] =	stream.indirect.gather [hbm4b:s3+s16], $0x40, s14, s16, $0xb8;
	[tilespmem:$0xD400] =	vst v63  }
0x84: {  	_ =	swait.ge [sflag:s26], $0xC80  }
0x85: {  	[sflag:s26] =	ssyncset.done $0x0  }
0x86: {  	s14 =	sadd.s32 $0xFFFFFCE0, s15;
	[sflag:s26] =	ssyncadd.s32 $0xFFFFF380  }
0x87: {  	[hbm4b:s14+s2] =	stream.linear.scatter [tilespmem:s23], [sflag:$0xC], $0xC80, $0x38;
	[tilespmem:$0xD400] =	vst v63  }
0x88: {  	_ =	swait.ge [sflag:s29], $0xC80  }
0x89: {  	[sflag:s29] =	ssyncset.done $0x0  }
0x8a: {  	s14 =	sadd.s32 $0x230, s12;
	[sflag:s29] =	ssyncadd.s32 $0xFFFFF380  }
0x8b: {  	[tilespmem:s21], [sflag:$0x3] =	stream.indirect.gather [hbm4b:s3+s16], $0x40, s14, s16, $0xb8;
	[tilespmem:$0xD400] =	vst v63  }
0x8c: {  	_ =	swait.ge [sflag:s1], $0xC80  }
0x8d: {  	[sflag:s1] =	ssyncset.done $0x0  }
0x8e: {  	s14 =	sadd.s32 $0xFFFFFE70, s15;
	[sflag:s1] =	ssyncadd.s32 $0xFFFFF380  }
0x8f: {  	[hbm4b:s14+s2] =	stream.linear.scatter [tilespmem:s25], [sflag:$0xD], $0xC80, $0x38;
	[tilespmem:$0xD400] =	vst v63  }
0x90: {  	_ =	swait.ge [sflag:s4], $0xC80  }
0x91: {  	[sflag:s4] =	ssyncset.done $0x0  }
0x92: {  	s14 =	sadd.s32 $0x268, s12;
	[sflag:s4] =	ssyncadd.s32 $0xFFFFF380  }
0x93: {  	[tilespmem:s23], [sflag:$0x4] =	stream.indirect.gather [hbm4b:s3+s16], $0x40, s14, s16, $0xb8;
	[tilespmem:$0xD400] =	vst v63  }
0x94: {  	_ =	swait.ge [sflag:s6], $0xC80  }
0x95: {  	[sflag:s6] =	ssyncset.done $0x0  }
0x96: {  	[sflag:s6] =	ssyncadd.s32 $0xFFFFF380  }
0x97: {  	[hbm4b:s15+s2] =	stream.linear.scatter [tilespmem:s28], [sflag:$0xE], $0xC80, $0x38;
	[tilespmem:$0xD400] =	vst v63  }
0x98: {  	_ =	swait.ge [sflag:s7], $0xC80  }
0x99: {  	[sflag:s7] =	ssyncset.done $0x0  }
0x9a: {  	s14 =	sadd.s32 $0x2A0, s12;
	[sflag:s7] =	ssyncadd.s32 $0xFFFFF380  }
0x9b: {  	[tilespmem:s25], [sflag:$0x5] =	stream.indirect.gather [hbm4b:s3+s16], $0x40, s14, s16, $0xb8;
	[tilespmem:$0xD400] =	vst v63  }
0x9c: {  	_ =	swait.ge [sflag:s8], $0xC80  }
0x9d: {  	[sflag:s8] =	ssyncset.done $0x0  }
0x9e: {  	s14 =	sadd.s32 $0x190, s15;
	[sflag:s8] =	ssyncadd.s32 $0xFFFFF380  }
0x9f: {  	[hbm4b:s14+s2] =	stream.linear.scatter [tilespmem:s30], [sflag:$0xF], $0xC80, $0x38;
	[tilespmem:$0xD400] =	vst v63  }
0xa0: {  	_ =	swait.ge [sflag:s9], $0xC80  }
0xa1: {  	[sflag:s9] =	ssyncset.done $0x0  }
0xa2: {  	s14 =	sadd.s32 $0x2D8, s12;
	[sflag:s9] =	ssyncadd.s32 $0xFFFFF380  }
0xa3: {  	[tilespmem:s28], [sflag:$0x6] =	stream.indirect.gather [hbm4b:s3+s16], $0x40, s14, s16, $0xb8;
	[tilespmem:$0xD400] =	vst v63  }
0xa4: {  	_ =	swait.ge [sflag:s10], $0xC80  }
0xa5: {  	[sflag:s10] =	ssyncset.done $0x0  }
0xa6: {  	s14 =	sadd.s32 $0x320, s15;
	[sflag:s10] =	ssyncadd.s32 $0xFFFFF380  }
0xa7: {  	[hbm4b:s14+s2] =	stream.linear.scatter [tilespmem:s0], [sflag:$0x10], $0xC80, $0x38;
	[tilespmem:$0xD400] =	vst v63  }
0xa8: {  	_ =	swait.ge [sflag:s11], $0xC80  }
0xa9: {  	[sflag:s11] =	ssyncset.done $0x0  }
0xaa: {  	s14 =	sadd.s32 $0x310, s12;
	[sflag:s11] =	ssyncadd.s32 $0xFFFFF380  }
0xab: {  	[tilespmem:s30], [sflag:$0x7] =	stream.indirect.gather [hbm4b:s3+s16], $0x40, s14, s16, $0xb8;
	[tilespmem:$0xD400] =	vst v63  }
0xac: {  	_ =	swait.ge [sflag:s31], $0xC80  }
0xad: {  	[sflag:s31] =	ssyncset.done $0x0  }
0xae: {  	s14 =	sadd.s32 $0x4B0, s15;
	[sflag:s31] =	ssyncadd.s32 $0xFFFFF380  }
0xaf: {  	[hbm4b:s14+s2] =	stream.linear.scatter [tilespmem:s17], [sflag:$0x9], $0xC80, $0x38;
	[tilespmem:$0xD400] =	vst v63  }
0xb0: {  	_ =	swait.ge [sflag:s5], $0xC80  }
0xb1: {  	[sflag:s5] =	ssyncset.done $0x0  }
.Ltmp0:
0xb2: {  	s12 =	sadd.s32 $0x348, s12;
	[sflag:s5] =	ssyncadd.s32 $0xFFFFF380;
	(pc) =	sbr.rel @p0 .LBB2_2-.Ltmp0, $4  }
0xb3: {  	[tilespmem:s0], [sflag:$0x8] =	stream.indirect.gather [hbm4b:s3+s16], $0x40, s12, s16, $0xb8;
	[tilespmem:$0xD400] =	vst v63  }
0xb4: {  	_ =	swait.ge [sflag:s18], $0xC80  }
0xb5: {  	[sflag:s18] =	ssyncset.done $0x0  }
0xb6: {  	s12 =	sadd.s32 $0x640, s15;
	s15 =	sadd.s32 $0xC80, s15;
	[sflag:s18] =	ssyncadd.s32 $0xFFFFF380  }
0xb7: {  	[hbm4b:s12+s2] =	stream.linear.scatter [tilespmem:s19], [sflag:$0xA], $0xC80, $0x38;
	[tilespmem:$0xD400] =	vst v63  }
0xb8: {  	_ =	swait.ge [sflag:s22], $0xC80  }
0xb9: {  	[sflag:s22] =	ssyncset.done $0x0  }
0xba: {  	s15 =	rddreg [dreg:$0x6];
	[sflag:s22] =	ssyncadd.s32 $0xFFFFF380  }
0xbb: {  	[hbm4b:s15+s2] =	stream.linear.scatter [tilespmem:s21], [sflag:$0xB], $0xC80, $0x38;
	[tilespmem:$0xD400] =	vst v63  }
0xbc: {  	_ =	swait.ge [sflag:s26], $0xC80  }
0xbd: {  	[sflag:s26] =	ssyncset.done $0x0  }
0xbe: {  	s13 =	rddreg [dreg:$0x7];
	[sflag:s26] =	ssyncadd.s32 $0xFFFFF380  }
0xbf: {  	[hbm4b:s13+s2] =	stream.linear.scatter [tilespmem:s23], [sflag:$0xC], $0xC80, $0x38;
	[tilespmem:$0xD400] =	vst v63  }
0xc0: {  	_ =	swait.ge [sflag:s1], $0xC80  }
0xc1: {  	[sflag:s1] =	ssyncset.done $0x0  }
0xc2: {  	s14 =	rddreg [dreg:$0x8];
	[sflag:s1] =	ssyncadd.s32 $0xFFFFF380  }
0xc3: {  	[hbm4b:s14+s2] =	stream.linear.scatter [tilespmem:s25], [sflag:$0xD], $0xC80, $0x38;
	[tilespmem:$0xD400] =	vst v63  }
0xc4: {  	_ =	swait.ge [sflag:s6], $0xC80  }
0xc5: {  	[sflag:s6] =	ssyncset.done $0x0  }
0xc6: {  	s15 =	rddreg [dreg:$0x9];
	[sflag:s6] =	ssyncadd.s32 $0xFFFFF380  }
0xc7: {  	[hbm4b:s15+s2] =	stream.linear.scatter [tilespmem:s28], [sflag:$0xE], $0xC80, $0x38;
	[tilespmem:$0xD400] =	vst v63  }
0xc8: {  	_ =	swait.ge [sflag:s8], $0xC80  }
0xc9: {  	[sflag:s8] =	ssyncset.done $0x0  }
0xca: {  	s13 =	rddreg [dreg:$0xa];
	[sflag:s8] =	ssyncadd.s32 $0xFFFFF380  }
0xcb: {  	[hbm4b:s13+s2] =	stream.linear.scatter [tilespmem:s30], [sflag:$0xF], $0xC80, $0x38;
	[tilespmem:$0xD400] =	vst v63  }
0xcc: {  	_ =	swait.ge [sflag:s10], $0xC80  }
0xcd: {  	[sflag:s10] =	ssyncset.done $0x0  }
0xce: {  	s14 =	rddreg [dreg:$0xb];
	[sflag:s10] =	ssyncadd.s32 $0xFFFFF380  }
0xcf: {  	[hbm4b:s14+s2] =	stream.linear.scatter [tilespmem:s0], [sflag:$0x10], $0xC80, $0x38;
	[tilespmem:$0xD400] =	vst v63  }
0xd0: {  	_ =	swait.ge [sflag:s20], $0xC80  }
0xd1: {  	[sflag:s20] =	ssyncset.done $0x0  }
0xd2: {  	[sflag:s20] =	ssyncadd.s32 $0xFFFFF380  }
0xd3: {  	_ =	swait.ge [sflag:s24], $0xC80  }
0xd4: {  	[sflag:s24] =	ssyncset.done $0x0  }
0xd5: {  	[sflag:s24] =	ssyncadd.s32 $0xFFFFF380  }
0xd6: {  	_ =	swait.ge [sflag:s29], $0xC80  }
0xd7: {  	[sflag:s29] =	ssyncset.done $0x0  }
0xd8: {  	[sflag:s29] =	ssyncadd.s32 $0xFFFFF380  }
0xd9: {  	_ =	swait.ge [sflag:s4], $0xC80  }
0xda: {  	[sflag:s4] =	ssyncset.done $0x0  }
0xdb: {  	[sflag:s4] =	ssyncadd.s32 $0xFFFFF380  }
0xdc: {  	_ =	swait.ge [sflag:s7], $0xC80  }
0xdd: {  	[sflag:s7] =	ssyncset.done $0x0  }
0xde: {  	[sflag:s7] =	ssyncadd.s32 $0xFFFFF380  }
0xdf: {  	_ =	swait.ge [sflag:s9], $0xC80  }
0xe0: {  	[sflag:s9] =	ssyncset.done $0x0  }
0xe1: {  	[sflag:s9] =	ssyncadd.s32 $0xFFFFF380  }
0xe2: {  	_ =	swait.ge [sflag:s11], $0xC80  }
0xe3: {  	[sflag:s11] =	ssyncset.done $0x0  }
0xe4: {  	[sflag:s11] =	ssyncadd.s32 $0xFFFFF380  }
0xe5: {  	_ =	swait.ge [sflag:s5], $0xC80  }
0xe6: {  	s13 =	rddreg [dreg:$0xe]  }
0xe7: {  	s15 =	rddreg [dreg:$0xc];
	s13 =	sadd.s32 $0x1, s13  }
0xe8: {  	p0 =	sne.s32 s13, s15  }
.Ltmp1:
0xe9: {  	_ = 	snop;
	(pc) =	sbr.rel @p0 .LBB2_1-.Ltmp1, $3  }
0xea: {  	_ =	sdelay $0x1  }
0xeb: {  	[sflag:s5] =	ssyncset.done $0x0  }
0xec: {  	[sflag:s5] =	ssyncadd.s32 $0xFFFFF380  }
0xed: {  	_ =	sfence.sel $0x180000  }
0xee: {  	[bflag:$0x0] =	sbarrier.arrive $0xFFFF  }
0xef: {  	_ =	strace $0x90000047  }
0xf0: {  	s0 =	stileid.u32;
	[bflag:$0x2] =	sbarrier.arrive $0xFFFF  }
0xf1: {  	p0 =	sne.s32 s0, $0x0;
	s0 =	rddreg [dreg:$0x2]  }
0xf2: {  	s0 =	sadd.s32 @!p0 $0x100000, s0  }
0xf3: {  	[sflag:s0] =	ssyncadd.tile.s32 @!p0 $0x1;
	_ =	shalt  }
.Lfunc_end2:
_tile_overlayer_lowered:
.L_overlay_start_2:
0xf4: {  	(tag) =	ssettag $0x2  }
0xf5: {  	s0 =	rddreg [dreg:$0x0];
	s2 =	stileid.u32  }
0xf6: {  	s1 =	rddreg [dreg:$0x1];
	p0 =	sne.s32 s2, $0x0  }
0xf7: {  	s3 =	rddreg [dreg:$0x2];
	[bflag:$0x3] =	sbarrier.arrive $0xFFFF;
	s2 =	simm.s32 @!p0 $0x1C11  }
0xf8: {  	[timem:s3], [sflag:s2] =	dma.local @!p0 [hbm:s0], s1  }
0xf9: {  	s0 =	simm.s32 @!p0 $0x11  }
0xfa: {  	_ =	swait.ge @!p0 [sflag:s0], s1  }
0xfb: {  	s1 =	ssub.s32 @!p0 $0x0, s1;
	[sflag:s0] =	ssyncset.done @!p0 $0x0  }
0xfc: {  	[sflag:s0] =	ssyncadd.s32 @!p0 s1  }
0xfd: {  	[bflag:$0x3] =	sbarrier.arrive $0xFFFF  }
0xfe: {  	_ =	shalt  }

// kernel: sparse-core-data-format-call.cloned.1.call-start
scs
called_computation_lowered:
.L_overlay_start_0:
0x0: {  	s2 =	sld [smem:$0x3FD9]  }
0x1: {  	s3 =	sld [smem:$0x3FFE];
	_ =	sdelay $0x1  }
0x2: {  	s1 =	srdreg.scid  }
0x3: {  	s0 =	sand.u32 $0x1, s1  }
0x4: {  	s18 =	sshll.u32 s0, $0xA;
	s2 =	sadd.s32 s3, s2  }
0x5: {  	s2 =	sadd.s32 s2, s18  }
0x6: {  	[smem:$0x3FC6] =	sst s2  }
0x7: {  	_ = 	snop  }
0x8: {  	s2 =	sld [smem:$0x3FD0];
	(tm) =	ssettm $0x1  }
0x9: {  	s19 =	sld [smem:$0x3FFB];
	_ =	sdelay $0x3  }
0xa: {  	_ =	strace s19  }
0xb: {  	s3 =	sld [smem:$0x3FFC];
	_ =	sdelay $0x3  }
0xc: {  	_ =	strace s3  }
0xd: {  	s3 =	sld [smem:$0x3FFD];
	_ =	sdelay $0x3  }
0xe: {  	_ =	strace s3  }
0xf: {  	_ =	strace $0x8FFFFFFF  }
0x10: {  	s20 =	sld [smem:$0x3FDB];
	_ =	sdelay $0x1  }
0x11: {  	s4 =	simm.s32 $_scs_section_size  }
0x12: {  	s5 =	simm.s32 $_size__tile_overlayer_lowered;
	s6 =	simm.s32 $_tile_overlayer_lowered  }
0x13: {  	s23 =	simm.s32 $0x1BFF;
	s22 =	sshll.u32 s6, $0x1;
	s3 =	sadd.s32 s4, s20  }
0x14: {  	s7 =	simm.s32 $0x0;
	s21 =	sshll.u32 s5, $0x1;
	s5 =	sadd.s32 s22, s3  }
0x15: {  	[timem:s7], [sflag:s23] =	dma.local [hbm:s5], s21  }
0x16: {  	_ =	swait.ge [sflag:s23], s21  }
0x17: {  	s4 =	ssub.s32 $0x0, s21;
	[sflag:s23] =	ssyncset.done $0x0  }
0x18: {  	[sflag:s23] =	ssyncadd.s32 s4;
	_ =	sdelay $0x1  }
0x19: {  	s24 =	simm.s32 $0x1B8B  }
0x1a: {  	_ =	swait.ge [sflag:s24], $0x1  }
0x1b: {  	[sflag:s24] =	ssyncset.done $0x0  }
0x1c: {  	s26 =	simm.s32 $0x1B8E;
	s25 =	sld [smem:$0x3FFE];
	[sflag:s24] =	ssyncadd.s32 $0xFFFFFFFF  }
0x1d: {  	s27 =	simm.s32 $execute0_lowered;
	[smem:$0x3FD2] =	sst s26  }
0x1e: {  	s5 =	sshll.u32 s27, $0x1;
	_ =	strace $0x80000049;
	[dreg:$0x1] =	wrdreg $0xFFFFFFFF  }
0x1f: {  	s28 =	simm.s32 $_size_execute0_lowered;
	s3 =	sadd.s32 s3, s5;
	[dreg:$0x0] =	wrdreg $0x0  }
0x20: {  	s5 =	sshll.u32 s28, $0x1;
	[dreg:$0x2] =	wrdreg s3  }
0x21: {  	[dreg:$0x3] =	wrdreg s5  }
0x22: {  	[dreg:$0x4] =	wrdreg $0xC0  }
0x23: {  	_ =	task [dreg:s7], $0x5FFFF  }
0x24: {  	[dreg:$0x1] =	wrdreg $0xFFFFFFFF  }
0x25: {  	[dreg:$0x0] =	wrdreg $0x60  }
0x26: {  	[dreg:$0x2] =	wrdreg s25  }
0x27: {  	[dreg:$0x3] =	wrdreg s2  }
0x28: {  	[dreg:$0x4] =	wrdreg $0x9  }
0x29: {  	_ =	task.clear_ibuf [dreg:s7], $0x5FFFF;
	_ =	strace $0x90000049  }
0x2a: {  	s29 =	simm.s32 $0x9;
	_ =	strace $0x8000004B  }
0x2b: {  	_ =	swait.ge [sflag:s29], $0x1  }
0x2c: {  	[sflag:s29] =	ssyncadd.s32 $0xFFFFFFFF  }
0x2d: {  	_ =	strace $0x9000004B  }
0x2e: {  	_ =	sfence  }
0x2f: {  	s30 =	sld [smem:$0x0];
	_ =	sdelay $0x2  }
0x30: {  	s31 =	sshll.u32 s1, $0xD;
	s1 =	sshrl.u32 s1, $0x2  }
0x31: {  	s3 =	sand.u32 $0x4000, s31;
	s1 =	sadd.s32 s1, s30  }
0x32: {  	s0 =	sor.u32 s3, s0;
	s1 =	sshll.u32 s1, $0x11  }
0x33: {  	s0 =	sor.u32 s1, s0  }
0x34: {  	s0 =	sadd.s32 $0x8F2B, s0  }
0x35: {  	[sflag:s0] =	ssyncadd.remote.s32 $0x1  }
0x36: {  	_ =	sfence.sel $0xFFFF  }
0x37: {  	[dreg:$0x0] =	wrdreg $0xFFFFFFFF;
	(pc) =	sbr.abs _section_cstart, $3  }
0x38: {  	[dreg:$0x1] =	wrdreg $0xFFFFFFFF  }
0x39: {  	_ =	task.clear_ibuf [dreg:s7], $0x2FFFF;
	_ =	strace $0x9FFFFFFF  }
0x3a: {  	(tm) =	ssettm $0x7FFFFFFF  }
0x3b: {  	_ =	shalt  }
tec
execute0_lowered:
.L_overlay_start_1:
0x0: {  	(tag) =	ssettag $0x1  }
0x1: {  	s0 =	srdreg.scid  }
0x2: {  	s1 =	sshll.u32 s0, $0x4  }
0x3: {  	s0 =	stileid.u32;
	s1 =	sand.u32 $0x10, s1  }
0x4: {  	s1 =	sor.u32 s0, s1  }
0x5: {  	s6 =	rddreg [dreg:$0x0];
	s4 =	simm.s32 $0x1;
	s2 =	sshll.u32 s1, $0x7  }
0x6: {  	s7 =	simm.s32 $0x2;
	s12 =	simm.s32 $0x0;
	s1 =	ssub.s32 $0x4000, s2  }
0x7: {  	s8 =	simm.s32 $0x20000;
	s13 =	simm.s32 $0x0;
	s3 =	sand.u32 $0xF80, s1  }
0x8: {  	s9 =	simm.s32 $0x0;
	s5 =	sshrl.u32 s1, $0xC;
	p0 =	sne.s32 s3, $0x0  }
.Ltmp0:
0x9: {  	s1 =	rddreg [dreg:$0x2];
	s4 =	simm.s32 @!p0 $0x0;
	(pc) =	sbr.rel .LBB1_1-.Ltmp0, $4  }
0xa: {  	s11 =	simm.s32 $0x0;
	s3 =	rddreg [dreg:$0x1];
	s5 =	sadd.s32 s4, s5  }
0xb: {  	_ =	strace $0x8000004A;
	s4 =	simm.s32 $0x1;
	s5 =	smul.u32 $0x32, s5  }
0xc: {  	s6 =	sadd.s32 $0xA00, s6;
	s10 =	smov.u32 s2;
	[sflag:s4] =	ssyncpa.u1 $0x0  }
0xd: {  	p0 =	por $0x0, $0x0;
	[sflag:s7] =	ssyncpa.u1 $0x0;
	s7 =	sor.u32 $0x1, s5  }
.LBB1_4:
0xe: {  	s16 =	sshll.u32 s13, $0x3;
	s17 =	sand.u32 $0x78, s13  }
0xf: {  	s30 =	sand.u32 $0x1F800, s13;
	s12 =	sshll.u32 s12, $0x11;
	s16 =	sand.u32 $0x3C00, s16  }
0x10: {  	[tilespmem:s15+$0x810 ss:$0x81] =	vst.msk $0xffff, v2;
	s31 =	sand.u32 $0x7, s13;
	s16 =	sor.u32 s17, s16;
	s17 =	sadd.s32 s3, s30  }
0x11: {  	[tilespmem:s15+$0x1020 ss:$0x81] =	vst.msk $0xffff, v0;
	s13 =	sshll.u32 s31, $0x12;
	s12 =	sadd.s32 s12, s17;
	s16 =	sshrl.u32 s16, $0x3  }
0x12: {  	[tilespmem:s15+$0x0 ss:$0x81] =	vst.msk $0xffff, v1;
	s13 =	sor.u32 $0x400, s13;
	s12 =	sadd.s32 s16, s12  }
0x13: {  	[hbm4b:s12+s13] =	stream.strided.scatter [tilespmem:s14], [sflag:$0x2], $0x2000, s8, s13, $0x20;
	[tilespmem:$0x8080] =	vst v63  }
.LBB1_5:
0x14: {  	s14 =	sadd.s32 $0x1, s9  }
0x15: {  	s12 =	sadd.s32 $0x1000, s10;
	s16 =	smov.u32 s10;
	p2 =	sgt.s32 s14, $0x31  }
0x16: {  	s16 =	smov.u32 @p2 s12  }
0x17: {  	s14 =	simm.s32 @p2 $0x0;
	p2 =	sgt.s32 s16, $0x3FFF  }
0x18: {  	s16 =	smov.u32 @p2 s2;
	p2 =	sne.s32 s11, s7  }
.Ltmp1:
0x19: {  	p1 =	slt.u32 s11, $0x2;
	(pc) =	sbr.rel @!p2 .LBB1_6-.Ltmp1, $4  }
0x1a: {  	s15 =	simm.s32 @!p1 $0x2  }
0x1b: {  	s13 =	smov.u32 s10;
	p0 =	por !p0, !p0;
	_ =	swait.ge @!p1 [sflag:s15], $0x2000  }
0x1c: {  	s12 =	smov.u32 s9;
	[sflag:s15] =	ssyncset.done @!p1 $0x0;
	s9 =	smov.u32 s14  }
0x1d: {  	s11 =	sadd.s32 $0x1, s11;
	[sflag:s15] =	ssyncadd.s32 @!p1 $0xFFFFE000;
	s10 =	smov.u32 s16  }
.LBB1_1:
0x1e: {  	p1 =	sge.u32 s11, s5  }
0x1f: {  	s14 =	sand.u32 @!p1 $0x1FFFFFF, s9  }
0x20: {  	s15 =	smulhi.u32 @!p1 $0x4924925, s14;
	_ =	sdelay $0x1  }
0x21: {  	s15 =	smul.u32 @!p1 $0x38, s15  }
0x22: {  	s16 =	sxor.u32 @!p1 $0xFFFFFFFF, s11;
	s17 =	smul.u32 @!p1 $0x380, s10  }
0x23: {  	s31 =	sadd.s32 $0xFFFFFFFF, s11;
	s16 =	sshll.u32 @!p1 s16, $0xD;
	s14 =	ssub.s32 @!p1 s14, s15  }
0x24: {  	s15 =	sand.u32 @!p1 $0x2000, s16;
	s16 =	sadd.s32 @!p1 s6, s17;
	s14 =	sshll.u32 @!p1 s14, $0x4  }
0x25: {  	s17 =	simm.s32 @!p1 $0x1C00;
	s14 =	sadd.s32 @!p1 s14, s16;
	s16 =	simm.s32 @!p1 $0x40  }
0x26: {  	[tilespmem:s15], [sflag:$0x1] =	stream.strided.gather @!p1 [hbm4b:s14+s16], $0x2000, s17, s16, $0x38;
	[tilespmem:$0x8080] =	vst v63  }
0x27: {  	p1 =	sge.u32 s31, s5  }
.Ltmp2:
0x28: {  	_ = 	snop;
	(pc) =	sbr.rel @p1 .LBB1_5-.Ltmp2, $1  }
0x29: {  	_ =	sdelay $0x3  }
0x2a: {  	s14 =	simm.s32 $0x1  }
0x2b: {  	_ =	swait.ge [sflag:s4], $0x2000;
	s14 =	simm.s32 @!p0 $0x0  }
0x2c: {  	[sflag:s4] =	ssyncset.done $0x0;
	s15 =	sshll.u32 s14, $0xD  }
0x2d: {  	[sflag:s4] =	ssyncadd.s32 $0xFFFFE000;
	s18 =	sor.u32 $0x20, s15  }
0x2e: {  	s14 =	smul.u32 $0x8100, s14;
	v3 =	vld [tilespmem:s18+$0x10]  }
0x2f: {  	s30 =	sand.u32 $0x1, s11;
	v2 =	vld [tilespmem:s18+$0xFFFFFFF0]  }
0x30: {  	s15 =	smul.u32 $0x8100, s30;
	s14 =	sshrl.u32 s14, $0x2;
	v0 =	vld [tilespmem:s18+$0x0]  }
0x31: {  	v1 =	vld [tilespmem:s18+$0xFFFFFFE0];
	s16 =	sor.u32 $0x4000, s14  }
0x32: {  	s31 =	sshrl.u32 s15, $0x2;
	s15 =	sadd.s32 $0x0, s16  }
0x33: {  	s17 =	simm.s32 $0x4;
	s18 =	sadd.s32 $0x40, s18;
	s14 =	sor.u32 $0x4000, s31;
	[tilespmem:s15+$0x1830 ss:$0x81] =	vst.msk $0xffff, v3  }
.LBB1_3:
0x34: {  	v3 =	vld [tilespmem:s18+$0x10];
	p1 =	sne.s32 s17, $0x1FC;
	[tilespmem:s15+$0x810 ss:$0x81] =	vst.msk $0xffff, v2;
	s19 =	smov.u32 s17;
	s17 =	sadd.s32 $0x4, s17  }
.Ltmp3:
0x35: {  	v2 =	vld [tilespmem:s18+$0xFFFFFFF0];
	[tilespmem:s15+$0x1020 ss:$0x81] =	vst.msk $0xffff, v0;
	(pc) =	sbr.rel @p1 .LBB1_3-.Ltmp3, $4  }
0x36: {  	v0 =	vld [tilespmem:s18+$0x0];
	[tilespmem:s15+$0x0 ss:$0x81] =	vst.msk $0xffff, v1  }
0x37: {  	s15 =	sshra.s32 s19, $0x2;
	v1 =	vld [tilespmem:s18+$0xFFFFFFE0]  }
0x38: {  	s15 =	sadd.s32 s15, s16  }
0x39: {  	s18 =	sadd.s32 $0x40, s18;
	[tilespmem:s15+$0x1830 ss:$0x81] =	vst.msk $0xffff, v3  }
.Ltmp4:
0x3a: {  	_ = 	snop;
	(pc) =	sbr.rel .LBB1_4-.Ltmp4, $1  }
0x3b: {  	_ =	sdelay $0x3  }
.LBB1_6:
0x3c: {  	_ =	sfence.sel $0x180000  }
0x3d: {  	s2 =	simm.s32 $0x1;
	[bflag:$0x0] =	sbarrier.arrive $0xFFFF  }
0x3e: {  	s31 =	simm.s32 $0x2;
	[sflag:s2] =	ssyncpa.u1 $0x1  }
0x3f: {  	[sflag:s31] =	ssyncpa.u1 $0x1  }
0x40: {  	p0 =	sne.s32 s0, $0x0;
	_ =	strace $0x9000004A  }
0x41: {  	s0 =	sadd.s32 @!p0 $0x100000, s1;
	[bflag:$0x2] =	sbarrier.arrive $0xFFFF  }
0x42: {  	[sflag:s0] =	ssyncadd.tile.s32 @!p0 $0x1;
	_ =	shalt  }
.Lfunc_end1:
_tile_overlayer_lowered:
.L_overlay_start_2:
0x43: {  	(tag) =	ssettag $0x2  }
0x44: {  	s0 =	rddreg [dreg:$0x0];
	s2 =	stileid.u32  }
0x45: {  	s1 =	rddreg [dreg:$0x1];
	p0 =	sne.s32 s2, $0x0  }
0x46: {  	s3 =	rddreg [dreg:$0x2];
	[bflag:$0x3] =	sbarrier.arrive $0xFFFF;
	s2 =	simm.s32 @!p0 $0x1C01  }
0x47: {  	[timem:s3], [sflag:s2] =	dma.local @!p0 [hbm:s0], s1  }
0x48: {  	s0 =	simm.s32 @!p0 $0x1  }
0x49: {  	_ =	swait.ge @!p0 [sflag:s0], s1  }
0x4a: {  	s1 =	ssub.s32 @!p0 $0x0, s1;
	[sflag:s0] =	ssyncset.done @!p0 $0x0  }
0x4b: {  	[sflag:s0] =	ssyncadd.s32 @!p0 s1  }
0x4c: {  	[bflag:$0x3] =	sbarrier.arrive $0xFFFF  }
0x4d: {  	_ =	shalt  }

</sc_bundles>
